<compile_context>
chip_gen: v7x
topology: tpu7x:2x2x1
jax: 0.10.2.dev20260603
libtpu: 0.0.44.dev20260713+nightly
codegen_flags: <defaults>
</compile_context>

<pallas_src>
import functools

import jax
import jax.numpy as jnp
from jax import lax
from jax.experimental import pallas as pl
from jax.experimental.pallas import tpu as pltpu
from jax.experimental.pallas import tpu_sc as plsc

_ROWS = 4
_COLS = 8192
_D = 128
_B = _ROWS * _COLS

_info = plsc.get_sparse_core_info()
_NC = _info.num_cores
_NS = _info.num_subcores
_NW = _NC * _NS

_BPW = _B // _NW
_WPR = _COLS // _BPW
_CH = 128
_NCH = _BPW // _CH
_NB = 6
_LOOKAHEAD = 4

_mesh = plsc.VectorSubcoreMesh(core_axis_name="c", subcore_axis_name="s")


@functools.partial(
    pl.kernel,
    out_type=jax.ShapeDtypeStruct((_ROWS, _COLS, _D), jnp.float32),
    mesh=_mesh,
    scratch_types=[
        pltpu.VMEM((_BPW,), jnp.int32),
        pltpu.VMEM((_NB, _CH, _D), jnp.float32),
        [pltpu.SemaphoreType.DMA] * _NB,
        [pltpu.SemaphoreType.DMA] * _NB,
    ],
)
def _embed_gather(tokens_hbm, table_hbm, out_hbm, idx_v, rows_v, gsems, osems):
    wid = lax.axis_index("s") * _NC + lax.axis_index("c")
    row = wid // _WPR
    col = (wid % _WPR) * _BPW
    pltpu.sync_copy(tokens_hbm.at[row, pl.ds(col, _BPW)], idx_v)

    def start_gather(c, b):
        return pltpu.async_copy(
            table_hbm.at[idx_v.at[pl.ds(c * _CH, _CH)]], rows_v.at[b], gsems[b]
        )

    gathers = [None] * _NB
    outs = [None] * _NB
    for c in range(_LOOKAHEAD):
        gathers[c] = start_gather(c, c)
    for c in range(_NCH):
        b = c % _NB
        f = c + _LOOKAHEAD
        if f < _NCH:
            fb = f % _NB
            if outs[fb] is not None:
                outs[fb].wait()
            gathers[fb] = start_gather(f, fb)
        gathers[b].wait()
        outs[b] = pltpu.async_copy(
            rows_v.at[b], out_hbm.at[row, pl.ds(col + c * _CH, _CH)], osems[b]
        )
    for b in range(_NB):
        if outs[b] is not None:
            outs[b].wait()


def kernel(tokens, embedding):
    return _embed_gather(tokens, embedding)

# --- scband reference (transcript-rebuilt; emitter-appended) ---
"""Pipeline reference for scband-gpt-18013092840055 (READ-ONLY COPY).

The authoritative reference and input builder live on the scoring server;
editing this copy changes nothing except your own understanding.
"""

import jax, jax.numpy as jnp
import numpy as np

vocab_size = 32768
d_model = 128

def setup_inputs(seed: int = 0) -> dict:
    key = jax.random.key(seed)
    k1, k2 = jax.random.split(key)
    tokens = jax.random.randint(k1, (4, 8192), 0, vocab_size, dtype=jnp.int64 if jax.config.jax_enable_x64 else jnp.int32)
    embedding = jax.random.normal(k2, (vocab_size, d_model), dtype=jnp.float32)
    return {"tokens": tokens, "embedding": embedding}

def reference(tokens, embedding):
    # GPT.forward: pre_processing embedding lookup (blocks/post_processing are no-ops)
    embed = jnp.take(embedding, tokens, axis=0)
    return embed

if __name__ == "__main__":
    import jax
    _d = setup_inputs()
    print(jax.jit(kernel)(*tuple(_d.values())))

</pallas_src>

<mosaic_0001>
#map = affine_map<(d0, d1) -> (0, 0)>
#map1 = affine_map<(d0, d1) -> (0, 0, 0)>
module attributes {stable_mosaic.version = 14 : i64} {
  func.func @_embed_gather(%arg0: i32, %arg1: i32, %arg2: memref<4x8192xi32, #tpu.memory_space<hbm>>, %arg3: memref<32768x128xf32, #tpu.memory_space<hbm>>, %arg4: memref<4x8192x128xf32, #tpu.memory_space<hbm>>, %arg5: memref<1024xi32, #tpu.memory_space<vmem>>, %arg6: memref<6x128x128xf32, #tpu.memory_space<vmem>>, %arg7: memref<!tpu.dma_semaphore, #tpu.memory_space<semaphore_mem>>, %arg8: memref<!tpu.dma_semaphore, #tpu.memory_space<semaphore_mem>>, %arg9: memref<!tpu.dma_semaphore, #tpu.memory_space<semaphore_mem>>, %arg10: memref<!tpu.dma_semaphore, #tpu.memory_space<semaphore_mem>>, %arg11: memref<!tpu.dma_semaphore, #tpu.memory_space<semaphore_mem>>, %arg12: memref<!tpu.dma_semaphore, #tpu.memory_space<semaphore_mem>>, %arg13: memref<!tpu.dma_semaphore, #tpu.memory_space<semaphore_mem>>, %arg14: memref<!tpu.dma_semaphore, #tpu.memory_space<semaphore_mem>>, %arg15: memref<!tpu.dma_semaphore, #tpu.memory_space<semaphore_mem>>, %arg16: memref<!tpu.dma_semaphore, #tpu.memory_space<semaphore_mem>>, %arg17: memref<!tpu.dma_semaphore, #tpu.memory_space<semaphore_mem>>, %arg18: memref<!tpu.dma_semaphore, #tpu.memory_space<semaphore_mem>>) attributes {dimension_semantics = [#tpu.dimension_semantics<core_parallel>, #tpu.dimension_semantics<subcore_parallel>], iteration_bounds = array<i64: 2, 16>, scalar_prefetch = 0 : i64, scratch_operands = 14 : i64, tpu.core_type = #tpu.core_type<sc_vector_subcore>, window_params = [{transform_indices = #map}, {transform_indices = #map}, {transform_indices = #map1}]} {
    %mul3A = arith.constant 2 : i32
    %mul3A_0 = arith.muli %arg1, %mul3A : i32
    %add3A = arith.addi %mul3A_0, %arg0 : i32
    %jit3A = arith.constant 8 : i32
    %div3A = arith.divsi %add3A, %jit3A : i32
    %sign3A = arith.constant 0 : i32
    %sign3A_1 = arith.cmpi sgt, %add3A, %sign3A : i32
    %sign3A_2 = arith.extui %sign3A_1 : i1 to i32
    %sign3A_3 = arith.constant 0 : i32
    %sign3A_4 = arith.cmpi slt, %add3A, %sign3A_3 : i32
    %sign3A_5 = arith.extui %sign3A_4 : i1 to i32
    %sign3A_6 = arith.subi %sign3A_2, %sign3A_5 : i32
    %sign3A_7 = arith.constant 0 : i32
    %sign3A_8 = arith.cmpi sgt, %jit3A, %sign3A_7 : i32
    %sign3A_9 = arith.extui %sign3A_8 : i1 to i32
    %sign3A_10 = arith.constant 0 : i32
    %sign3A_11 = arith.cmpi slt, %jit3A, %sign3A_10 : i32
    %sign3A_12 = arith.extui %sign3A_11 : i1 to i32
    %sign3A_13 = arith.subi %sign3A_9, %sign3A_12 : i32
    %ne3A = arith.cmpi ne, %sign3A_6, %sign3A_13 : i32
    %rem3A = arith.remsi %add3A, %jit3A : i32
    %ne3A_14 = arith.constant 0 : i32
    %ne3A_15 = arith.cmpi ne, %rem3A, %ne3A_14 : i32
    %and3A = arith.andi %ne3A, %ne3A_15 : i1
    %sub3A = arith.constant 1 : i32
    %sub3A_16 = arith.subi %div3A, %sub3A : i32
    %select_n3A = arith.select %and3A, %sub3A_16, %div3A : i32
    %jit3A_17 = arith.constant 8 : i32
    %eq3A = arith.constant 0 : i32
    %eq3A_18 = arith.cmpi eq, %jit3A_17, %eq3A : i32
    %jit3A_19 = arith.constant 1 : i32
    %select_n3A_20 = arith.select %eq3A_18, %jit3A_19, %jit3A_17 : i32
    %rem3A_21 = arith.remsi %add3A, %select_n3A_20 : i32
    %ne3A_22 = arith.constant 0 : i32
    %ne3A_23 = arith.cmpi ne, %rem3A_21, %ne3A_22 : i32
    %lt3A = arith.constant 0 : i32
    %lt3A_24 = arith.cmpi slt, %rem3A_21, %lt3A : i32
    %lt3A_25 = arith.constant 0 : i32
    %lt3A_26 = arith.cmpi slt, %select_n3A_20, %lt3A_25 : i32
    %ne3A_27 = arith.xori %lt3A_24, %lt3A_26 : i1
    %and3A_28 = arith.andi %ne3A_27, %ne3A_23 : i1
    %add3A_29 = arith.addi %rem3A_21, %select_n3A_20 : i32
    %select_n3A_30 = arith.select %and3A_28, %add3A_29, %rem3A_21 : i32
    %mul3A_31 = arith.constant 1024 : i32
    %mul3A_32 = arith.muli %select_n3A_30, %mul3A_31 : i32
    "tpu.region"() ({
      %run_scoped3A = tpu.sem_alloc : memref<!tpu.dma_semaphore, #tpu.memory_space<semaphore_mem>>
      %dma_start3A_447 = tpu.memref_slice %arg2[%select_n3A, %mul3A_32] : memref<4x8192xi32, #tpu.memory_space<hbm>> -> memref<1x1024xi32, #tpu.memory_space<hbm>>
      %dma_start3A_448 = tpu.memref_squeeze %dma_start3A_447 : memref<1x1024xi32, #tpu.memory_space<hbm>> -> memref<1024xi32, #tpu.memory_space<hbm>>
      %dma_start3A_449 = tpu.memref_slice %arg2[%select_n3A, %mul3A_32] : memref<4x8192xi32, #tpu.memory_space<hbm>> -> memref<1x1024xi32, #tpu.memory_space<hbm>>
      %dma_start3A_450 = tpu.memref_squeeze %dma_start3A_449 : memref<1x1024xi32, #tpu.memory_space<hbm>> -> memref<1024xi32, #tpu.memory_space<hbm>>
      tpu.enqueue_dma source(%dma_start3A_450 : memref<1024xi32, #tpu.memory_space<hbm>>) target(%arg5 : memref<1024xi32, #tpu.memory_space<vmem>>) target_semaphore(%run_scoped3A : memref<!tpu.dma_semaphore, #tpu.memory_space<semaphore_mem>>)
      %dma_wait3A_451 = tpu.memref_slice %arg2[%select_n3A, %mul3A_32] : memref<4x8192xi32, #tpu.memory_space<hbm>> -> memref<1x1024xi32, #tpu.memory_space<hbm>>
      %dma_wait3A_452 = tpu.memref_squeeze %dma_wait3A_451 : memref<1x1024xi32, #tpu.memory_space<hbm>> -> memref<1024xi32, #tpu.memory_space<hbm>>
      %dma_wait3A_453 = tpu.memref_slice %arg2[%select_n3A, %mul3A_32] : memref<4x8192xi32, #tpu.memory_space<hbm>> -> memref<1x1024xi32, #tpu.memory_space<hbm>>
      %dma_wait3A_454 = tpu.memref_squeeze %dma_wait3A_453 : memref<1x1024xi32, #tpu.memory_space<hbm>> -> memref<1024xi32, #tpu.memory_space<hbm>>
      tpu.wait_dma2 semaphore(%run_scoped3A : memref<!tpu.dma_semaphore, #tpu.memory_space<semaphore_mem>>) src(%dma_wait3A_454 : memref<1024xi32, #tpu.memory_space<hbm>>) dst(%arg5 : memref<1024xi32, #tpu.memory_space<vmem>>)
      tpu.yield
    }) : () -> ()
    %dma_start3A = arith.constant 0 : i32
    %dma_start3A_33 = arith.constant 0 : i32
    %dma_start3A_34 = arith.constant 0 : i32
    %dma_start3A_35 = tpu.memref_slice %arg6[%dma_start3A, %dma_start3A_33, %dma_start3A_34] : memref<6x128x128xf32, #tpu.memory_space<vmem>> -> memref<1x128x128xf32, #tpu.memory_space<vmem>>
    %dma_start3A_36 = tpu.memref_squeeze %dma_start3A_35 : memref<1x128x128xf32, #tpu.memory_space<vmem>> -> memref<128x128xf32, #tpu.memory_space<vmem>>
    %dma_start3A_37 = arith.constant 0 : i32
    %dma_start3A_38 = tpu.memref_slice %arg5[%dma_start3A_37] : memref<1024xi32, #tpu.memory_space<vmem>> -> memref<128xi32, #tpu.memory_space<vmem>>
    %dma_start3A_39 = arith.constant 0 : i32
    %dma_start3A_40 = arith.constant 0 : i32
    %dma_start3A_41 = tpu.memref_slice %arg3[%dma_start3A_39, %dma_start3A_40] : memref<32768x128xf32, #tpu.memory_space<hbm>> -> memref<32768x128xf32, #tpu.memory_space<hbm>>
    tpu.enqueue_indirect_dma source(%dma_start3A_41 : memref<32768x128xf32, #tpu.memory_space<hbm>>) target(%dma_start3A_36 : memref<128x128xf32, #tpu.memory_space<vmem>>) offsets(%dma_start3A_38 : memref<128xi32, #tpu.memory_space<vmem>>) semaphore(%arg7 : memref<!tpu.dma_semaphore, #tpu.memory_space<semaphore_mem>>)
    %dma_start3A_42 = arith.constant 1 : i32
    %dma_start3A_43 = arith.constant 0 : i32
    %dma_start3A_44 = arith.constant 0 : i32
    %dma_start3A_45 = tpu.memref_slice %arg6[%dma_start3A_42, %dma_start3A_43, %dma_start3A_44] : memref<6x128x128xf32, #tpu.memory_space<vmem>> -> memref<1x128x128xf32, #tpu.memory_space<vmem>>
    %dma_start3A_46 = tpu.memref_squeeze %dma_start3A_45 : memref<1x128x128xf32, #tpu.memory_space<vmem>> -> memref<128x128xf32, #tpu.memory_space<vmem>>
    %dma_start3A_47 = arith.constant 128 : i32
    %dma_start3A_48 = tpu.memref_slice %arg5[%dma_start3A_47] : memref<1024xi32, #tpu.memory_space<vmem>> -> memref<128xi32, #tpu.memory_space<vmem>>
    %dma_start3A_49 = arith.constant 0 : i32
    %dma_start3A_50 = arith.constant 0 : i32
    %dma_start3A_51 = tpu.memref_slice %arg3[%dma_start3A_49, %dma_start3A_50] : memref<32768x128xf32, #tpu.memory_space<hbm>> -> memref<32768x128xf32, #tpu.memory_space<hbm>>
    tpu.enqueue_indirect_dma source(%dma_start3A_51 : memref<32768x128xf32, #tpu.memory_space<hbm>>) target(%dma_start3A_46 : memref<128x128xf32, #tpu.memory_space<vmem>>) offsets(%dma_start3A_48 : memref<128xi32, #tpu.memory_space<vmem>>) semaphore(%arg8 : memref<!tpu.dma_semaphore, #tpu.memory_space<semaphore_mem>>)
    %dma_start3A_52 = arith.constant 2 : i32
    %dma_start3A_53 = arith.constant 0 : i32
    %dma_start3A_54 = arith.constant 0 : i32
    %dma_start3A_55 = tpu.memref_slice %arg6[%dma_start3A_52, %dma_start3A_53, %dma_start3A_54] : memref<6x128x128xf32, #tpu.memory_space<vmem>> -> memref<1x128x128xf32, #tpu.memory_space<vmem>>
    %dma_start3A_56 = tpu.memref_squeeze %dma_start3A_55 : memref<1x128x128xf32, #tpu.memory_space<vmem>> -> memref<128x128xf32, #tpu.memory_space<vmem>>
    %dma_start3A_57 = arith.constant 256 : i32
    %dma_start3A_58 = tpu.memref_slice %arg5[%dma_start3A_57] : memref<1024xi32, #tpu.memory_space<vmem>> -> memref<128xi32, #tpu.memory_space<vmem>>
    %dma_start3A_59 = arith.constant 0 : i32
    %dma_start3A_60 = arith.constant 0 : i32
    %dma_start3A_61 = tpu.memref_slice %arg3[%dma_start3A_59, %dma_start3A_60] : memref<32768x128xf32, #tpu.memory_space<hbm>> -> memref<32768x128xf32, #tpu.memory_space<hbm>>
    tpu.enqueue_indirect_dma source(%dma_start3A_61 : memref<32768x128xf32, #tpu.memory_space<hbm>>) target(%dma_start3A_56 : memref<128x128xf32, #tpu.memory_space<vmem>>) offsets(%dma_start3A_58 : memref<128xi32, #tpu.memory_space<vmem>>) semaphore(%arg9 : memref<!tpu.dma_semaphore, #tpu.memory_space<semaphore_mem>>)
    %dma_start3A_62 = arith.constant 3 : i32
    %dma_start3A_63 = arith.constant 0 : i32
    %dma_start3A_64 = arith.constant 0 : i32
    %dma_start3A_65 = tpu.memref_slice %arg6[%dma_start3A_62, %dma_start3A_63, %dma_start3A_64] : memref<6x128x128xf32, #tpu.memory_space<vmem>> -> memref<1x128x128xf32, #tpu.memory_space<vmem>>
    %dma_start3A_66 = tpu.memref_squeeze %dma_start3A_65 : memref<1x128x128xf32, #tpu.memory_space<vmem>> -> memref<128x128xf32, #tpu.memory_space<vmem>>
    %dma_start3A_67 = arith.constant 384 : i32
    %dma_start3A_68 = tpu.memref_slice %arg5[%dma_start3A_67] : memref<1024xi32, #tpu.memory_space<vmem>> -> memref<128xi32, #tpu.memory_space<vmem>>
    %dma_start3A_69 = arith.constant 0 : i32
    %dma_start3A_70 = arith.constant 0 : i32
    %dma_start3A_71 = tpu.memref_slice %arg3[%dma_start3A_69, %dma_start3A_70] : memref<32768x128xf32, #tpu.memory_space<hbm>> -> memref<32768x128xf32, #tpu.memory_space<hbm>>
    tpu.enqueue_indirect_dma source(%dma_start3A_71 : memref<32768x128xf32, #tpu.memory_space<hbm>>) target(%dma_start3A_66 : memref<128x128xf32, #tpu.memory_space<vmem>>) offsets(%dma_start3A_68 : memref<128xi32, #tpu.memory_space<vmem>>) semaphore(%arg10 : memref<!tpu.dma_semaphore, #tpu.memory_space<semaphore_mem>>)
    %dma_start3A_72 = arith.constant 4 : i32
    %dma_start3A_73 = arith.constant 0 : i32
    %dma_start3A_74 = arith.constant 0 : i32
    %dma_start3A_75 = tpu.memref_slice %arg6[%dma_start3A_72, %dma_start3A_73, %dma_start3A_74] : memref<6x128x128xf32, #tpu.memory_space<vmem>> -> memref<1x128x128xf32, #tpu.memory_space<vmem>>
    %dma_start3A_76 = tpu.memref_squeeze %dma_start3A_75 : memref<1x128x128xf32, #tpu.memory_space<vmem>> -> memref<128x128xf32, #tpu.memory_space<vmem>>
    %dma_start3A_77 = arith.constant 512 : i32
    %dma_start3A_78 = tpu.memref_slice %arg5[%dma_start3A_77] : memref<1024xi32, #tpu.memory_space<vmem>> -> memref<128xi32, #tpu.memory_space<vmem>>
    %dma_start3A_79 = arith.constant 0 : i32
    %dma_start3A_80 = arith.constant 0 : i32
    %dma_start3A_81 = tpu.memref_slice %arg3[%dma_start3A_79, %dma_start3A_80] : memref<32768x128xf32, #tpu.memory_space<hbm>> -> memref<32768x128xf32, #tpu.memory_space<hbm>>
    tpu.enqueue_indirect_dma source(%dma_start3A_81 : memref<32768x128xf32, #tpu.memory_space<hbm>>) target(%dma_start3A_76 : memref<128x128xf32, #tpu.memory_space<vmem>>) offsets(%dma_start3A_78 : memref<128xi32, #tpu.memory_space<vmem>>) semaphore(%arg11 : memref<!tpu.dma_semaphore, #tpu.memory_space<semaphore_mem>>)
    %dma_wait3A = arith.constant 0 : i32
    %dma_wait3A_82 = arith.constant 0 : i32
    %dma_wait3A_83 = arith.constant 0 : i32
    %dma_wait3A_84 = tpu.memref_slice %arg6[%dma_wait3A, %dma_wait3A_82, %dma_wait3A_83] : memref<6x128x128xf32, #tpu.memory_space<vmem>> -> memref<1x128x128xf32, #tpu.memory_space<vmem>>
    %dma_wait3A_85 = tpu.memref_squeeze %dma_wait3A_84 : memref<1x128x128xf32, #tpu.memory_space<vmem>> -> memref<128x128xf32, #tpu.memory_space<vmem>>
    %dma_wait3A_86 = arith.constant 0 : i32
    %dma_wait3A_87 = tpu.memref_slice %arg5[%dma_wait3A_86] : memref<1024xi32, #tpu.memory_space<vmem>> -> memref<128xi32, #tpu.memory_space<vmem>>
    %dma_wait3A_88 = arith.constant 0 : i32
    %dma_wait3A_89 = arith.constant 0 : i32
    %dma_wait3A_90 = tpu.memref_slice %arg3[%dma_wait3A_88, %dma_wait3A_89] : memref<32768x128xf32, #tpu.memory_space<hbm>> -> memref<32768x128xf32, #tpu.memory_space<hbm>>
    tpu.wait_indirect_dma semaphore(%arg7 : memref<!tpu.dma_semaphore, #tpu.memory_space<semaphore_mem>>) src(%dma_wait3A_90 : memref<32768x128xf32, #tpu.memory_space<hbm>>) dst(%dma_wait3A_85 : memref<128x128xf32, #tpu.memory_space<vmem>>)
    %add3A_91 = arith.constant 0 : i32
    %add3A_92 = arith.addi %mul3A_32, %add3A_91 : i32
    %dma_start3A_93 = arith.constant 0 : i32
    %dma_start3A_94 = arith.constant 0 : i32
    %dma_start3A_95 = arith.constant 0 : i32
    %dma_start3A_96 = tpu.memref_slice %arg6[%dma_start3A_93, %dma_start3A_94, %dma_start3A_95] : memref<6x128x128xf32, #tpu.memory_space<vmem>> -> memref<1x128x128xf32, #tpu.memory_space<vmem>>
    %dma_start3A_97 = tpu.memref_squeeze %dma_start3A_96 : memref<1x128x128xf32, #tpu.memory_space<vmem>> -> memref<128x128xf32, #tpu.memory_space<vmem>>
    %dma_start3A_98 = arith.constant 0 : i32
    %dma_start3A_99 = tpu.memref_slice %arg4[%select_n3A, %add3A_92, %dma_start3A_98] : memref<4x8192x128xf32, #tpu.memory_space<hbm>> -> memref<1x128x128xf32, #tpu.memory_space<hbm>>
    %dma_start3A_100 = tpu.memref_squeeze %dma_start3A_99 : memref<1x128x128xf32, #tpu.memory_space<hbm>> -> memref<128x128xf32, #tpu.memory_space<hbm>>
    %dma_start3A_101 = arith.constant 0 : i32
    %dma_start3A_102 = tpu.memref_slice %arg4[%select_n3A, %add3A_92, %dma_start3A_101] : memref<4x8192x128xf32, #tpu.memory_space<hbm>> -> memref<1x128x128xf32, #tpu.memory_space<hbm>>
    %dma_start3A_103 = tpu.memref_squeeze %dma_start3A_102 : memref<1x128x128xf32, #tpu.memory_space<hbm>> -> memref<128x128xf32, #tpu.memory_space<hbm>>
    %dma_start3A_104 = arith.constant 0 : i32
    %dma_start3A_105 = arith.constant 0 : i32
    %dma_start3A_106 = tpu.memref_slice %arg6[%dma_start3A_93, %dma_start3A_104, %dma_start3A_105] : memref<6x128x128xf32, #tpu.memory_space<vmem>> -> memref<1x128x128xf32, #tpu.memory_space<vmem>>
    %dma_start3A_107 = tpu.memref_squeeze %dma_start3A_106 : memref<1x128x128xf32, #tpu.memory_space<vmem>> -> memref<128x128xf32, #tpu.memory_space<vmem>>
    tpu.enqueue_dma source(%dma_start3A_107 : memref<128x128xf32, #tpu.memory_space<vmem>>) target(%dma_start3A_103 : memref<128x128xf32, #tpu.memory_space<hbm>>) target_semaphore(%arg13 : memref<!tpu.dma_semaphore, #tpu.memory_space<semaphore_mem>>)
    %dma_start3A_108 = arith.constant 5 : i32
    %dma_start3A_109 = arith.constant 0 : i32
    %dma_start3A_110 = arith.constant 0 : i32
    %dma_start3A_111 = tpu.memref_slice %arg6[%dma_start3A_108, %dma_start3A_109, %dma_start3A_110] : memref<6x128x128xf32, #tpu.memory_space<vmem>> -> memref<1x128x128xf32, #tpu.memory_space<vmem>>
    %dma_start3A_112 = tpu.memref_squeeze %dma_start3A_111 : memref<1x128x128xf32, #tpu.memory_space<vmem>> -> memref<128x128xf32, #tpu.memory_space<vmem>>
    %dma_start3A_113 = arith.constant 640 : i32
    %dma_start3A_114 = tpu.memref_slice %arg5[%dma_start3A_113] : memref<1024xi32, #tpu.memory_space<vmem>> -> memref<128xi32, #tpu.memory_space<vmem>>
    %dma_start3A_115 = arith.constant 0 : i32
    %dma_start3A_116 = arith.constant 0 : i32
    %dma_start3A_117 = tpu.memref_slice %arg3[%dma_start3A_115, %dma_start3A_116] : memref<32768x128xf32, #tpu.memory_space<hbm>> -> memref<32768x128xf32, #tpu.memory_space<hbm>>
    tpu.enqueue_indirect_dma source(%dma_start3A_117 : memref<32768x128xf32, #tpu.memory_space<hbm>>) target(%dma_start3A_112 : memref<128x128xf32, #tpu.memory_space<vmem>>) offsets(%dma_start3A_114 : memref<128xi32, #tpu.memory_space<vmem>>) semaphore(%arg12 : memref<!tpu.dma_semaphore, #tpu.memory_space<semaphore_mem>>)
    %dma_wait3A_118 = arith.constant 1 : i32
    %dma_wait3A_119 = arith.constant 0 : i32
    %dma_wait3A_120 = arith.constant 0 : i32
    %dma_wait3A_121 = tpu.memref_slice %arg6[%dma_wait3A_118, %dma_wait3A_119, %dma_wait3A_120] : memref<6x128x128xf32, #tpu.memory_space<vmem>> -> memref<1x128x128xf32, #tpu.memory_space<vmem>>
    %dma_wait3A_122 = tpu.memref_squeeze %dma_wait3A_121 : memref<1x128x128xf32, #tpu.memory_space<vmem>> -> memref<128x128xf32, #tpu.memory_space<vmem>>
    %dma_wait3A_123 = arith.constant 128 : i32
    %dma_wait3A_124 = tpu.memref_slice %arg5[%dma_wait3A_123] : memref<1024xi32, #tpu.memory_space<vmem>> -> memref<128xi32, #tpu.memory_space<vmem>>
    %dma_wait3A_125 = arith.constant 0 : i32
    %dma_wait3A_126 = arith.constant 0 : i32
    %dma_wait3A_127 = tpu.memref_slice %arg3[%dma_wait3A_125, %dma_wait3A_126] : memref<32768x128xf32, #tpu.memory_space<hbm>> -> memref<32768x128xf32, #tpu.memory_space<hbm>>
    tpu.wait_indirect_dma semaphore(%arg8 : memref<!tpu.dma_semaphore, #tpu.memory_space<semaphore_mem>>) src(%dma_wait3A_127 : memref<32768x128xf32, #tpu.memory_space<hbm>>) dst(%dma_wait3A_122 : memref<128x128xf32, #tpu.memory_space<vmem>>)
    %add3A_128 = arith.constant 128 : i32
    %add3A_129 = arith.addi %mul3A_32, %add3A_128 : i32
    %dma_start3A_130 = arith.constant 1 : i32
    %dma_start3A_131 = arith.constant 0 : i32
    %dma_start3A_132 = arith.constant 0 : i32
    %dma_start3A_133 = tpu.memref_slice %arg6[%dma_start3A_130, %dma_start3A_131, %dma_start3A_132] : memref<6x128x128xf32, #tpu.memory_space<vmem>> -> memref<1x128x128xf32, #tpu.memory_space<vmem>>
    %dma_start3A_134 = tpu.memref_squeeze %dma_start3A_133 : memref<1x128x128xf32, #tpu.memory_space<vmem>> -> memref<128x128xf32, #tpu.memory_space<vmem>>
    %dma_start3A_135 = arith.constant 0 : i32
    %dma_start3A_136 = tpu.memref_slice %arg4[%select_n3A, %add3A_129, %dma_start3A_135] : memref<4x8192x128xf32, #tpu.memory_space<hbm>> -> memref<1x128x128xf32, #tpu.memory_space<hbm>>
    %dma_start3A_137 = tpu.memref_squeeze %dma_start3A_136 : memref<1x128x128xf32, #tpu.memory_space<hbm>> -> memref<128x128xf32, #tpu.memory_space<hbm>>
    %dma_start3A_138 = arith.constant 0 : i32
    %dma_start3A_139 = tpu.memref_slice %arg4[%select_n3A, %add3A_129, %dma_start3A_138] : memref<4x8192x128xf32, #tpu.memory_space<hbm>> -> memref<1x128x128xf32, #tpu.memory_space<hbm>>
    %dma_start3A_140 = tpu.memref_squeeze %dma_start3A_139 : memref<1x128x128xf32, #tpu.memory_space<hbm>> -> memref<128x128xf32, #tpu.memory_space<hbm>>
    %dma_start3A_141 = arith.constant 0 : i32
    %dma_start3A_142 = arith.constant 0 : i32
    %dma_start3A_143 = tpu.memref_slice %arg6[%dma_start3A_130, %dma_start3A_141, %dma_start3A_142] : memref<6x128x128xf32, #tpu.memory_space<vmem>> -> memref<1x128x128xf32, #tpu.memory_space<vmem>>
    %dma_start3A_144 = tpu.memref_squeeze %dma_start3A_143 : memref<1x128x128xf32, #tpu.memory_space<vmem>> -> memref<128x128xf32, #tpu.memory_space<vmem>>
    tpu.enqueue_dma source(%dma_start3A_144 : memref<128x128xf32, #tpu.memory_space<vmem>>) target(%dma_start3A_140 : memref<128x128xf32, #tpu.memory_space<hbm>>) target_semaphore(%arg14 : memref<!tpu.dma_semaphore, #tpu.memory_space<semaphore_mem>>)
    %dma_wait3A_145 = arith.constant 0 : i32
    %dma_wait3A_146 = arith.constant 0 : i32
    %dma_wait3A_147 = arith.constant 0 : i32
    %dma_wait3A_148 = tpu.memref_slice %arg6[%dma_wait3A_145, %dma_wait3A_146, %dma_wait3A_147] : memref<6x128x128xf32, #tpu.memory_space<vmem>> -> memref<1x128x128xf32, #tpu.memory_space<vmem>>
    %dma_wait3A_149 = tpu.memref_squeeze %dma_wait3A_148 : memref<1x128x128xf32, #tpu.memory_space<vmem>> -> memref<128x128xf32, #tpu.memory_space<vmem>>
    %dma_wait3A_150 = arith.constant 0 : i32
    %dma_wait3A_151 = tpu.memref_slice %arg4[%select_n3A, %add3A_92, %dma_wait3A_150] : memref<4x8192x128xf32, #tpu.memory_space<hbm>> -> memref<1x128x128xf32, #tpu.memory_space<hbm>>
    %dma_wait3A_152 = tpu.memref_squeeze %dma_wait3A_151 : memref<1x128x128xf32, #tpu.memory_space<hbm>> -> memref<128x128xf32, #tpu.memory_space<hbm>>
    %dma_wait3A_153 = arith.constant 0 : i32
    %dma_wait3A_154 = tpu.memref_slice %arg4[%select_n3A, %add3A_92, %dma_wait3A_153] : memref<4x8192x128xf32, #tpu.memory_space<hbm>> -> memref<1x128x128xf32, #tpu.memory_space<hbm>>
    %dma_wait3A_155 = tpu.memref_squeeze %dma_wait3A_154 : memref<1x128x128xf32, #tpu.memory_space<hbm>> -> memref<128x128xf32, #tpu.memory_space<hbm>>
    %dma_wait3A_156 = arith.constant 0 : i32
    %dma_wait3A_157 = arith.constant 0 : i32
    %dma_wait3A_158 = tpu.memref_slice %arg6[%dma_wait3A_145, %dma_wait3A_156, %dma_wait3A_157] : memref<6x128x128xf32, #tpu.memory_space<vmem>> -> memref<1x128x128xf32, #tpu.memory_space<vmem>>
    %dma_wait3A_159 = tpu.memref_squeeze %dma_wait3A_158 : memref<1x128x128xf32, #tpu.memory_space<vmem>> -> memref<128x128xf32, #tpu.memory_space<vmem>>
    tpu.wait_dma2 semaphore(%arg13 : memref<!tpu.dma_semaphore, #tpu.memory_space<semaphore_mem>>) src(%dma_wait3A_159 : memref<128x128xf32, #tpu.memory_space<vmem>>) dst(%dma_wait3A_155 : memref<128x128xf32, #tpu.memory_space<hbm>>)
    %dma_start3A_160 = arith.constant 0 : i32
    %dma_start3A_161 = arith.constant 0 : i32
    %dma_start3A_162 = arith.constant 0 : i32
    %dma_start3A_163 = tpu.memref_slice %arg6[%dma_start3A_160, %dma_start3A_161, %dma_start3A_162] : memref<6x128x128xf32, #tpu.memory_space<vmem>> -> memref<1x128x128xf32, #tpu.memory_space<vmem>>
    %dma_start3A_164 = tpu.memref_squeeze %dma_start3A_163 : memref<1x128x128xf32, #tpu.memory_space<vmem>> -> memref<128x128xf32, #tpu.memory_space<vmem>>
    %dma_start3A_165 = arith.constant 768 : i32
    %dma_start3A_166 = tpu.memref_slice %arg5[%dma_start3A_165] : memref<1024xi32, #tpu.memory_space<vmem>> -> memref<128xi32, #tpu.memory_space<vmem>>
    %dma_start3A_167 = arith.constant 0 : i32
    %dma_start3A_168 = arith.constant 0 : i32
    %dma_start3A_169 = tpu.memref_slice %arg3[%dma_start3A_167, %dma_start3A_168] : memref<32768x128xf32, #tpu.memory_space<hbm>> -> memref<32768x128xf32, #tpu.memory_space<hbm>>
    tpu.enqueue_indirect_dma source(%dma_start3A_169 : memref<32768x128xf32, #tpu.memory_space<hbm>>) target(%dma_start3A_164 : memref<128x128xf32, #tpu.memory_space<vmem>>) offsets(%dma_start3A_166 : memref<128xi32, #tpu.memory_space<vmem>>) semaphore(%arg7 : memref<!tpu.dma_semaphore, #tpu.memory_space<semaphore_mem>>)
    %dma_wait3A_170 = arith.constant 2 : i32
    %dma_wait3A_171 = arith.constant 0 : i32
    %dma_wait3A_172 = arith.constant 0 : i32
    %dma_wait3A_173 = tpu.memref_slice %arg6[%dma_wait3A_170, %dma_wait3A_171, %dma_wait3A_172] : memref<6x128x128xf32, #tpu.memory_space<vmem>> -> memref<1x128x128xf32, #tpu.memory_space<vmem>>
    %dma_wait3A_174 = tpu.memref_squeeze %dma_wait3A_173 : memref<1x128x128xf32, #tpu.memory_space<vmem>> -> memref<128x128xf32, #tpu.memory_space<vmem>>
    %dma_wait3A_175 = arith.constant 256 : i32
    %dma_wait3A_176 = tpu.memref_slice %arg5[%dma_wait3A_175] : memref<1024xi32, #tpu.memory_space<vmem>> -> memref<128xi32, #tpu.memory_space<vmem>>
    %dma_wait3A_177 = arith.constant 0 : i32
    %dma_wait3A_178 = arith.constant 0 : i32
    %dma_wait3A_179 = tpu.memref_slice %arg3[%dma_wait3A_177, %dma_wait3A_178] : memref<32768x128xf32, #tpu.memory_space<hbm>> -> memref<32768x128xf32, #tpu.memory_space<hbm>>
    tpu.wait_indirect_dma semaphore(%arg9 : memref<!tpu.dma_semaphore, #tpu.memory_space<semaphore_mem>>) src(%dma_wait3A_179 : memref<32768x128xf32, #tpu.memory_space<hbm>>) dst(%dma_wait3A_174 : memref<128x128xf32, #tpu.memory_space<vmem>>)
    %add3A_180 = arith.constant 256 : i32
    %add3A_181 = arith.addi %mul3A_32, %add3A_180 : i32
    %dma_start3A_182 = arith.constant 2 : i32
    %dma_start3A_183 = arith.constant 0 : i32
    %dma_start3A_184 = arith.constant 0 : i32
    %dma_start3A_185 = tpu.memref_slice %arg6[%dma_start3A_182, %dma_start3A_183, %dma_start3A_184] : memref<6x128x128xf32, #tpu.memory_space<vmem>> -> memref<1x128x128xf32, #tpu.memory_space<vmem>>
    %dma_start3A_186 = tpu.memref_squeeze %dma_start3A_185 : memref<1x128x128xf32, #tpu.memory_space<vmem>> -> memref<128x128xf32, #tpu.memory_space<vmem>>
    %dma_start3A_187 = arith.constant 0 : i32
    %dma_start3A_188 = tpu.memref_slice %arg4[%select_n3A, %add3A_181, %dma_start3A_187] : memref<4x8192x128xf32, #tpu.memory_space<hbm>> -> memref<1x128x128xf32, #tpu.memory_space<hbm>>
    %dma_start3A_189 = tpu.memref_squeeze %dma_start3A_188 : memref<1x128x128xf32, #tpu.memory_space<hbm>> -> memref<128x128xf32, #tpu.memory_space<hbm>>
    %dma_start3A_190 = arith.constant 0 : i32
    %dma_start3A_191 = tpu.memref_slice %arg4[%select_n3A, %add3A_181, %dma_start3A_190] : memref<4x8192x128xf32, #tpu.memory_space<hbm>> -> memref<1x128x128xf32, #tpu.memory_space<hbm>>
    %dma_start3A_192 = tpu.memref_squeeze %dma_start3A_191 : memref<1x128x128xf32, #tpu.memory_space<hbm>> -> memref<128x128xf32, #tpu.memory_space<hbm>>
    %dma_start3A_193 = arith.constant 0 : i32
    %dma_start3A_194 = arith.constant 0 : i32
    %dma_start3A_195 = tpu.memref_slice %arg6[%dma_start3A_182, %dma_start3A_193, %dma_start3A_194] : memref<6x128x128xf32, #tpu.memory_space<vmem>> -> memref<1x128x128xf32, #tpu.memory_space<vmem>>
    %dma_start3A_196 = tpu.memref_squeeze %dma_start3A_195 : memref<1x128x128xf32, #tpu.memory_space<vmem>> -> memref<128x128xf32, #tpu.memory_space<vmem>>
    tpu.enqueue_dma source(%dma_start3A_196 : memref<128x128xf32, #tpu.memory_space<vmem>>) target(%dma_start3A_192 : memref<128x128xf32, #tpu.memory_space<hbm>>) target_semaphore(%arg15 : memref<!tpu.dma_semaphore, #tpu.memory_space<semaphore_mem>>)
    %dma_wait3A_197 = arith.constant 1 : i32
    %dma_wait3A_198 = arith.constant 0 : i32
    %dma_wait3A_199 = arith.constant 0 : i32
    %dma_wait3A_200 = tpu.memref_slice %arg6[%dma_wait3A_197, %dma_wait3A_198, %dma_wait3A_199] : memref<6x128x128xf32, #tpu.memory_space<vmem>> -> memref<1x128x128xf32, #tpu.memory_space<vmem>>
    %dma_wait3A_201 = tpu.memref_squeeze %dma_wait3A_200 : memref<1x128x128xf32, #tpu.memory_space<vmem>> -> memref<128x128xf32, #tpu.memory_space<vmem>>
    %dma_wait3A_202 = arith.constant 0 : i32
    %dma_wait3A_203 = tpu.memref_slice %arg4[%select_n3A, %add3A_129, %dma_wait3A_202] : memref<4x8192x128xf32, #tpu.memory_space<hbm>> -> memref<1x128x128xf32, #tpu.memory_space<hbm>>
    %dma_wait3A_204 = tpu.memref_squeeze %dma_wait3A_203 : memref<1x128x128xf32, #tpu.memory_space<hbm>> -> memref<128x128xf32, #tpu.memory_space<hbm>>
    %dma_wait3A_205 = arith.constant 0 : i32
    %dma_wait3A_206 = tpu.memref_slice %arg4[%select_n3A, %add3A_129, %dma_wait3A_205] : memref<4x8192x128xf32, #tpu.memory_space<hbm>> -> memref<1x128x128xf32, #tpu.memory_space<hbm>>
    %dma_wait3A_207 = tpu.memref_squeeze %dma_wait3A_206 : memref<1x128x128xf32, #tpu.memory_space<hbm>> -> memref<128x128xf32, #tpu.memory_space<hbm>>
    %dma_wait3A_208 = arith.constant 0 : i32
    %dma_wait3A_209 = arith.constant 0 : i32
    %dma_wait3A_210 = tpu.memref_slice %arg6[%dma_wait3A_197, %dma_wait3A_208, %dma_wait3A_209] : memref<6x128x128xf32, #tpu.memory_space<vmem>> -> memref<1x128x128xf32, #tpu.memory_space<vmem>>
    %dma_wait3A_211 = tpu.memref_squeeze %dma_wait3A_210 : memref<1x128x128xf32, #tpu.memory_space<vmem>> -> memref<128x128xf32, #tpu.memory_space<vmem>>
    tpu.wait_dma2 semaphore(%arg14 : memref<!tpu.dma_semaphore, #tpu.memory_space<semaphore_mem>>) src(%dma_wait3A_211 : memref<128x128xf32, #tpu.memory_space<vmem>>) dst(%dma_wait3A_207 : memref<128x128xf32, #tpu.memory_space<hbm>>)
    %dma_start3A_212 = arith.constant 1 : i32
    %dma_start3A_213 = arith.constant 0 : i32
    %dma_start3A_214 = arith.constant 0 : i32
    %dma_start3A_215 = tpu.memref_slice %arg6[%dma_start3A_212, %dma_start3A_213, %dma_start3A_214] : memref<6x128x128xf32, #tpu.memory_space<vmem>> -> memref<1x128x128xf32, #tpu.memory_space<vmem>>
    %dma_start3A_216 = tpu.memref_squeeze %dma_start3A_215 : memref<1x128x128xf32, #tpu.memory_space<vmem>> -> memref<128x128xf32, #tpu.memory_space<vmem>>
    %dma_start3A_217 = arith.constant 896 : i32
    %dma_start3A_218 = tpu.memref_slice %arg5[%dma_start3A_217] : memref<1024xi32, #tpu.memory_space<vmem>> -> memref<128xi32, #tpu.memory_space<vmem>>
    %dma_start3A_219 = arith.constant 0 : i32
    %dma_start3A_220 = arith.constant 0 : i32
    %dma_start3A_221 = tpu.memref_slice %arg3[%dma_start3A_219, %dma_start3A_220] : memref<32768x128xf32, #tpu.memory_space<hbm>> -> memref<32768x128xf32, #tpu.memory_space<hbm>>
    tpu.enqueue_indirect_dma source(%dma_start3A_221 : memref<32768x128xf32, #tpu.memory_space<hbm>>) target(%dma_start3A_216 : memref<128x128xf32, #tpu.memory_space<vmem>>) offsets(%dma_start3A_218 : memref<128xi32, #tpu.memory_space<vmem>>) semaphore(%arg8 : memref<!tpu.dma_semaphore, #tpu.memory_space<semaphore_mem>>)
    %dma_wait3A_222 = arith.constant 3 : i32
    %dma_wait3A_223 = arith.constant 0 : i32
    %dma_wait3A_224 = arith.constant 0 : i32
    %dma_wait3A_225 = tpu.memref_slice %arg6[%dma_wait3A_222, %dma_wait3A_223, %dma_wait3A_224] : memref<6x128x128xf32, #tpu.memory_space<vmem>> -> memref<1x128x128xf32, #tpu.memory_space<vmem>>
    %dma_wait3A_226 = tpu.memref_squeeze %dma_wait3A_225 : memref<1x128x128xf32, #tpu.memory_space<vmem>> -> memref<128x128xf32, #tpu.memory_space<vmem>>
    %dma_wait3A_227 = arith.constant 384 : i32
    %dma_wait3A_228 = tpu.memref_slice %arg5[%dma_wait3A_227] : memref<1024xi32, #tpu.memory_space<vmem>> -> memref<128xi32, #tpu.memory_space<vmem>>
    %dma_wait3A_229 = arith.constant 0 : i32
    %dma_wait3A_230 = arith.constant 0 : i32
    %dma_wait3A_231 = tpu.memref_slice %arg3[%dma_wait3A_229, %dma_wait3A_230] : memref<32768x128xf32, #tpu.memory_space<hbm>> -> memref<32768x128xf32, #tpu.memory_space<hbm>>
    tpu.wait_indirect_dma semaphore(%arg10 : memref<!tpu.dma_semaphore, #tpu.memory_space<semaphore_mem>>) src(%dma_wait3A_231 : memref<32768x128xf32, #tpu.memory_space<hbm>>) dst(%dma_wait3A_226 : memref<128x128xf32, #tpu.memory_space<vmem>>)
    %add3A_232 = arith.constant 384 : i32
    %add3A_233 = arith.addi %mul3A_32, %add3A_232 : i32
    %dma_start3A_234 = arith.constant 3 : i32
    %dma_start3A_235 = arith.constant 0 : i32
    %dma_start3A_236 = arith.constant 0 : i32
    %dma_start3A_237 = tpu.memref_slice %arg6[%dma_start3A_234, %dma_start3A_235, %dma_start3A_236] : memref<6x128x128xf32, #tpu.memory_space<vmem>> -> memref<1x128x128xf32, #tpu.memory_space<vmem>>
    %dma_start3A_238 = tpu.memref_squeeze %dma_start3A_237 : memref<1x128x128xf32, #tpu.memory_space<vmem>> -> memref<128x128xf32, #tpu.memory_space<vmem>>
    %dma_start3A_239 = arith.constant 0 : i32
    %dma_start3A_240 = tpu.memref_slice %arg4[%select_n3A, %add3A_233, %dma_start3A_239] : memref<4x8192x128xf32, #tpu.memory_space<hbm>> -> memref<1x128x128xf32, #tpu.memory_space<hbm>>
    %dma_start3A_241 = tpu.memref_squeeze %dma_start3A_240 : memref<1x128x128xf32, #tpu.memory_space<hbm>> -> memref<128x128xf32, #tpu.memory_space<hbm>>
    %dma_start3A_242 = arith.constant 0 : i32
    %dma_start3A_243 = tpu.memref_slice %arg4[%select_n3A, %add3A_233, %dma_start3A_242] : memref<4x8192x128xf32, #tpu.memory_space<hbm>> -> memref<1x128x128xf32, #tpu.memory_space<hbm>>
    %dma_start3A_244 = tpu.memref_squeeze %dma_start3A_243 : memref<1x128x128xf32, #tpu.memory_space<hbm>> -> memref<128x128xf32, #tpu.memory_space<hbm>>
    %dma_start3A_245 = arith.constant 0 : i32
    %dma_start3A_246 = arith.constant 0 : i32
    %dma_start3A_247 = tpu.memref_slice %arg6[%dma_start3A_234, %dma_start3A_245, %dma_start3A_246] : memref<6x128x128xf32, #tpu.memory_space<vmem>> -> memref<1x128x128xf32, #tpu.memory_space<vmem>>
    %dma_start3A_248 = tpu.memref_squeeze %dma_start3A_247 : memref<1x128x128xf32, #tpu.memory_space<vmem>> -> memref<128x128xf32, #tpu.memory_space<vmem>>
    tpu.enqueue_dma source(%dma_start3A_248 : memref<128x128xf32, #tpu.memory_space<vmem>>) target(%dma_start3A_244 : memref<128x128xf32, #tpu.memory_space<hbm>>) target_semaphore(%arg16 : memref<!tpu.dma_semaphore, #tpu.memory_space<semaphore_mem>>)
    %dma_wait3A_249 = arith.constant 4 : i32
    %dma_wait3A_250 = arith.constant 0 : i32
    %dma_wait3A_251 = arith.constant 0 : i32
    %dma_wait3A_252 = tpu.memref_slice %arg6[%dma_wait3A_249, %dma_wait3A_250, %dma_wait3A_251] : memref<6x128x128xf32, #tpu.memory_space<vmem>> -> memref<1x128x128xf32, #tpu.memory_space<vmem>>
    %dma_wait3A_253 = tpu.memref_squeeze %dma_wait3A_252 : memref<1x128x128xf32, #tpu.memory_space<vmem>> -> memref<128x128xf32, #tpu.memory_space<vmem>>
    %dma_wait3A_254 = arith.constant 512 : i32
    %dma_wait3A_255 = tpu.memref_slice %arg5[%dma_wait3A_254] : memref<1024xi32, #tpu.memory_space<vmem>> -> memref<128xi32, #tpu.memory_space<vmem>>
    %dma_wait3A_256 = arith.constant 0 : i32
    %dma_wait3A_257 = arith.constant 0 : i32
    %dma_wait3A_258 = tpu.memref_slice %arg3[%dma_wait3A_256, %dma_wait3A_257] : memref<32768x128xf32, #tpu.memory_space<hbm>> -> memref<32768x128xf32, #tpu.memory_space<hbm>>
    tpu.wait_indirect_dma semaphore(%arg11 : memref<!tpu.dma_semaphore, #tpu.memory_space<semaphore_mem>>) src(%dma_wait3A_258 : memref<32768x128xf32, #tpu.memory_space<hbm>>) dst(%dma_wait3A_253 : memref<128x128xf32, #tpu.memory_space<vmem>>)
    %add3A_259 = arith.constant 512 : i32
    %add3A_260 = arith.addi %mul3A_32, %add3A_259 : i32
    %dma_start3A_261 = arith.constant 4 : i32
    %dma_start3A_262 = arith.constant 0 : i32
    %dma_start3A_263 = arith.constant 0 : i32
    %dma_start3A_264 = tpu.memref_slice %arg6[%dma_start3A_261, %dma_start3A_262, %dma_start3A_263] : memref<6x128x128xf32, #tpu.memory_space<vmem>> -> memref<1x128x128xf32, #tpu.memory_space<vmem>>
    %dma_start3A_265 = tpu.memref_squeeze %dma_start3A_264 : memref<1x128x128xf32, #tpu.memory_space<vmem>> -> memref<128x128xf32, #tpu.memory_space<vmem>>
    %dma_start3A_266 = arith.constant 0 : i32
    %dma_start3A_267 = tpu.memref_slice %arg4[%select_n3A, %add3A_260, %dma_start3A_266] : memref<4x8192x128xf32, #tpu.memory_space<hbm>> -> memref<1x128x128xf32, #tpu.memory_space<hbm>>
    %dma_start3A_268 = tpu.memref_squeeze %dma_start3A_267 : memref<1x128x128xf32, #tpu.memory_space<hbm>> -> memref<128x128xf32, #tpu.memory_space<hbm>>
    %dma_start3A_269 = arith.constant 0 : i32
    %dma_start3A_270 = tpu.memref_slice %arg4[%select_n3A, %add3A_260, %dma_start3A_269] : memref<4x8192x128xf32, #tpu.memory_space<hbm>> -> memref<1x128x128xf32, #tpu.memory_space<hbm>>
    %dma_start3A_271 = tpu.memref_squeeze %dma_start3A_270 : memref<1x128x128xf32, #tpu.memory_space<hbm>> -> memref<128x128xf32, #tpu.memory_space<hbm>>
    %dma_start3A_272 = arith.constant 0 : i32
    %dma_start3A_273 = arith.constant 0 : i32
    %dma_start3A_274 = tpu.memref_slice %arg6[%dma_start3A_261, %dma_start3A_272, %dma_start3A_273] : memref<6x128x128xf32, #tpu.memory_space<vmem>> -> memref<1x128x128xf32, #tpu.memory_space<vmem>>
    %dma_start3A_275 = tpu.memref_squeeze %dma_start3A_274 : memref<1x128x128xf32, #tpu.memory_space<vmem>> -> memref<128x128xf32, #tpu.memory_space<vmem>>
    tpu.enqueue_dma source(%dma_start3A_275 : memref<128x128xf32, #tpu.memory_space<vmem>>) target(%dma_start3A_271 : memref<128x128xf32, #tpu.memory_space<hbm>>) target_semaphore(%arg17 : memref<!tpu.dma_semaphore, #tpu.memory_space<semaphore_mem>>)
    %dma_wait3A_276 = arith.constant 5 : i32
    %dma_wait3A_277 = arith.constant 0 : i32
    %dma_wait3A_278 = arith.constant 0 : i32
    %dma_wait3A_279 = tpu.memref_slice %arg6[%dma_wait3A_276, %dma_wait3A_277, %dma_wait3A_278] : memref<6x128x128xf32, #tpu.memory_space<vmem>> -> memref<1x128x128xf32, #tpu.memory_space<vmem>>
    %dma_wait3A_280 = tpu.memref_squeeze %dma_wait3A_279 : memref<1x128x128xf32, #tpu.memory_space<vmem>> -> memref<128x128xf32, #tpu.memory_space<vmem>>
    %dma_wait3A_281 = arith.constant 640 : i32
    %dma_wait3A_282 = tpu.memref_slice %arg5[%dma_wait3A_281] : memref<1024xi32, #tpu.memory_space<vmem>> -> memref<128xi32, #tpu.memory_space<vmem>>
    %dma_wait3A_283 = arith.constant 0 : i32
    %dma_wait3A_284 = arith.constant 0 : i32
    %dma_wait3A_285 = tpu.memref_slice %arg3[%dma_wait3A_283, %dma_wait3A_284] : memref<32768x128xf32, #tpu.memory_space<hbm>> -> memref<32768x128xf32, #tpu.memory_space<hbm>>
    tpu.wait_indirect_dma semaphore(%arg12 : memref<!tpu.dma_semaphore, #tpu.memory_space<semaphore_mem>>) src(%dma_wait3A_285 : memref<32768x128xf32, #tpu.memory_space<hbm>>) dst(%dma_wait3A_280 : memref<128x128xf32, #tpu.memory_space<vmem>>)
    %add3A_286 = arith.constant 640 : i32
    %add3A_287 = arith.addi %mul3A_32, %add3A_286 : i32
    %dma_start3A_288 = arith.constant 5 : i32
    %dma_start3A_289 = arith.constant 0 : i32
    %dma_start3A_290 = arith.constant 0 : i32
    %dma_start3A_291 = tpu.memref_slice %arg6[%dma_start3A_288, %dma_start3A_289, %dma_start3A_290] : memref<6x128x128xf32, #tpu.memory_space<vmem>> -> memref<1x128x128xf32, #tpu.memory_space<vmem>>
    %dma_start3A_292 = tpu.memref_squeeze %dma_start3A_291 : memref<1x128x128xf32, #tpu.memory_space<vmem>> -> memref<128x128xf32, #tpu.memory_space<vmem>>
    %dma_start3A_293 = arith.constant 0 : i32
    %dma_start3A_294 = tpu.memref_slice %arg4[%select_n3A, %add3A_287, %dma_start3A_293] : memref<4x8192x128xf32, #tpu.memory_space<hbm>> -> memref<1x128x128xf32, #tpu.memory_space<hbm>>
    %dma_start3A_295 = tpu.memref_squeeze %dma_start3A_294 : memref<1x128x128xf32, #tpu.memory_space<hbm>> -> memref<128x128xf32, #tpu.memory_space<hbm>>
    %dma_start3A_296 = arith.constant 0 : i32
    %dma_start3A_297 = tpu.memref_slice %arg4[%select_n3A, %add3A_287, %dma_start3A_296] : memref<4x8192x128xf32, #tpu.memory_space<hbm>> -> memref<1x128x128xf32, #tpu.memory_space<hbm>>
    %dma_start3A_298 = tpu.memref_squeeze %dma_start3A_297 : memref<1x128x128xf32, #tpu.memory_space<hbm>> -> memref<128x128xf32, #tpu.memory_space<hbm>>
    %dma_start3A_299 = arith.constant 0 : i32
    %dma_start3A_300 = arith.constant 0 : i32
    %dma_start3A_301 = tpu.memref_slice %arg6[%dma_start3A_288, %dma_start3A_299, %dma_start3A_300] : memref<6x128x128xf32, #tpu.memory_space<vmem>> -> memref<1x128x128xf32, #tpu.memory_space<vmem>>
    %dma_start3A_302 = tpu.memref_squeeze %dma_start3A_301 : memref<1x128x128xf32, #tpu.memory_space<vmem>> -> memref<128x128xf32, #tpu.memory_space<vmem>>
    tpu.enqueue_dma source(%dma_start3A_302 : memref<128x128xf32, #tpu.memory_space<vmem>>) target(%dma_start3A_298 : memref<128x128xf32, #tpu.memory_space<hbm>>) target_semaphore(%arg18 : memref<!tpu.dma_semaphore, #tpu.memory_space<semaphore_mem>>)
    %dma_wait3A_303 = arith.constant 0 : i32
    %dma_wait3A_304 = arith.constant 0 : i32
    %dma_wait3A_305 = arith.constant 0 : i32
    %dma_wait3A_306 = tpu.memref_slice %arg6[%dma_wait3A_303, %dma_wait3A_304, %dma_wait3A_305] : memref<6x128x128xf32, #tpu.memory_space<vmem>> -> memref<1x128x128xf32, #tpu.memory_space<vmem>>
    %dma_wait3A_307 = tpu.memref_squeeze %dma_wait3A_306 : memref<1x128x128xf32, #tpu.memory_space<vmem>> -> memref<128x128xf32, #tpu.memory_space<vmem>>
    %dma_wait3A_308 = arith.constant 768 : i32
    %dma_wait3A_309 = tpu.memref_slice %arg5[%dma_wait3A_308] : memref<1024xi32, #tpu.memory_space<vmem>> -> memref<128xi32, #tpu.memory_space<vmem>>
    %dma_wait3A_310 = arith.constant 0 : i32
    %dma_wait3A_311 = arith.constant 0 : i32
    %dma_wait3A_312 = tpu.memref_slice %arg3[%dma_wait3A_310, %dma_wait3A_311] : memref<32768x128xf32, #tpu.memory_space<hbm>> -> memref<32768x128xf32, #tpu.memory_space<hbm>>
    tpu.wait_indirect_dma semaphore(%arg7 : memref<!tpu.dma_semaphore, #tpu.memory_space<semaphore_mem>>) src(%dma_wait3A_312 : memref<32768x128xf32, #tpu.memory_space<hbm>>) dst(%dma_wait3A_307 : memref<128x128xf32, #tpu.memory_space<vmem>>)
    %add3A_313 = arith.constant 768 : i32
    %add3A_314 = arith.addi %mul3A_32, %add3A_313 : i32
    %dma_start3A_315 = arith.constant 0 : i32
    %dma_start3A_316 = arith.constant 0 : i32
    %dma_start3A_317 = arith.constant 0 : i32
    %dma_start3A_318 = tpu.memref_slice %arg6[%dma_start3A_315, %dma_start3A_316, %dma_start3A_317] : memref<6x128x128xf32, #tpu.memory_space<vmem>> -> memref<1x128x128xf32, #tpu.memory_space<vmem>>
    %dma_start3A_319 = tpu.memref_squeeze %dma_start3A_318 : memref<1x128x128xf32, #tpu.memory_space<vmem>> -> memref<128x128xf32, #tpu.memory_space<vmem>>
    %dma_start3A_320 = arith.constant 0 : i32
    %dma_start3A_321 = tpu.memref_slice %arg4[%select_n3A, %add3A_314, %dma_start3A_320] : memref<4x8192x128xf32, #tpu.memory_space<hbm>> -> memref<1x128x128xf32, #tpu.memory_space<hbm>>
    %dma_start3A_322 = tpu.memref_squeeze %dma_start3A_321 : memref<1x128x128xf32, #tpu.memory_space<hbm>> -> memref<128x128xf32, #tpu.memory_space<hbm>>
    %dma_start3A_323 = arith.constant 0 : i32
    %dma_start3A_324 = tpu.memref_slice %arg4[%select_n3A, %add3A_314, %dma_start3A_323] : memref<4x8192x128xf32, #tpu.memory_space<hbm>> -> memref<1x128x128xf32, #tpu.memory_space<hbm>>
    %dma_start3A_325 = tpu.memref_squeeze %dma_start3A_324 : memref<1x128x128xf32, #tpu.memory_space<hbm>> -> memref<128x128xf32, #tpu.memory_space<hbm>>
    %dma_start3A_326 = arith.constant 0 : i32
    %dma_start3A_327 = arith.constant 0 : i32
    %dma_start3A_328 = tpu.memref_slice %arg6[%dma_start3A_315, %dma_start3A_326, %dma_start3A_327] : memref<6x128x128xf32, #tpu.memory_space<vmem>> -> memref<1x128x128xf32, #tpu.memory_space<vmem>>
    %dma_start3A_329 = tpu.memref_squeeze %dma_start3A_328 : memref<1x128x128xf32, #tpu.memory_space<vmem>> -> memref<128x128xf32, #tpu.memory_space<vmem>>
    tpu.enqueue_dma source(%dma_start3A_329 : memref<128x128xf32, #tpu.memory_space<vmem>>) target(%dma_start3A_325 : memref<128x128xf32, #tpu.memory_space<hbm>>) target_semaphore(%arg13 : memref<!tpu.dma_semaphore, #tpu.memory_space<semaphore_mem>>)
    %dma_wait3A_330 = arith.constant 1 : i32
    %dma_wait3A_331 = arith.constant 0 : i32
    %dma_wait3A_332 = arith.constant 0 : i32
    %dma_wait3A_333 = tpu.memref_slice %arg6[%dma_wait3A_330, %dma_wait3A_331, %dma_wait3A_332] : memref<6x128x128xf32, #tpu.memory_space<vmem>> -> memref<1x128x128xf32, #tpu.memory_space<vmem>>
    %dma_wait3A_334 = tpu.memref_squeeze %dma_wait3A_333 : memref<1x128x128xf32, #tpu.memory_space<vmem>> -> memref<128x128xf32, #tpu.memory_space<vmem>>
    %dma_wait3A_335 = arith.constant 896 : i32
    %dma_wait3A_336 = tpu.memref_slice %arg5[%dma_wait3A_335] : memref<1024xi32, #tpu.memory_space<vmem>> -> memref<128xi32, #tpu.memory_space<vmem>>
    %dma_wait3A_337 = arith.constant 0 : i32
    %dma_wait3A_338 = arith.constant 0 : i32
    %dma_wait3A_339 = tpu.memref_slice %arg3[%dma_wait3A_337, %dma_wait3A_338] : memref<32768x128xf32, #tpu.memory_space<hbm>> -> memref<32768x128xf32, #tpu.memory_space<hbm>>
    tpu.wait_indirect_dma semaphore(%arg8 : memref<!tpu.dma_semaphore, #tpu.memory_space<semaphore_mem>>) src(%dma_wait3A_339 : memref<32768x128xf32, #tpu.memory_space<hbm>>) dst(%dma_wait3A_334 : memref<128x128xf32, #tpu.memory_space<vmem>>)
    %add3A_340 = arith.constant 896 : i32
    %add3A_341 = arith.addi %mul3A_32, %add3A_340 : i32
    %dma_start3A_342 = arith.constant 1 : i32
    %dma_start3A_343 = arith.constant 0 : i32
    %dma_start3A_344 = arith.constant 0 : i32
    %dma_start3A_345 = tpu.memref_slice %arg6[%dma_start3A_342, %dma_start3A_343, %dma_start3A_344] : memref<6x128x128xf32, #tpu.memory_space<vmem>> -> memref<1x128x128xf32, #tpu.memory_space<vmem>>
    %dma_start3A_346 = tpu.memref_squeeze %dma_start3A_345 : memref<1x128x128xf32, #tpu.memory_space<vmem>> -> memref<128x128xf32, #tpu.memory_space<vmem>>
    %dma_start3A_347 = arith.constant 0 : i32
    %dma_start3A_348 = tpu.memref_slice %arg4[%select_n3A, %add3A_341, %dma_start3A_347] : memref<4x8192x128xf32, #tpu.memory_space<hbm>> -> memref<1x128x128xf32, #tpu.memory_space<hbm>>
    %dma_start3A_349 = tpu.memref_squeeze %dma_start3A_348 : memref<1x128x128xf32, #tpu.memory_space<hbm>> -> memref<128x128xf32, #tpu.memory_space<hbm>>
    %dma_start3A_350 = arith.constant 0 : i32
    %dma_start3A_351 = tpu.memref_slice %arg4[%select_n3A, %add3A_341, %dma_start3A_350] : memref<4x8192x128xf32, #tpu.memory_space<hbm>> -> memref<1x128x128xf32, #tpu.memory_space<hbm>>
    %dma_start3A_352 = tpu.memref_squeeze %dma_start3A_351 : memref<1x128x128xf32, #tpu.memory_space<hbm>> -> memref<128x128xf32, #tpu.memory_space<hbm>>
    %dma_start3A_353 = arith.constant 0 : i32
    %dma_start3A_354 = arith.constant 0 : i32
    %dma_start3A_355 = tpu.memref_slice %arg6[%dma_start3A_342, %dma_start3A_353, %dma_start3A_354] : memref<6x128x128xf32, #tpu.memory_space<vmem>> -> memref<1x128x128xf32, #tpu.memory_space<vmem>>
    %dma_start3A_356 = tpu.memref_squeeze %dma_start3A_355 : memref<1x128x128xf32, #tpu.memory_space<vmem>> -> memref<128x128xf32, #tpu.memory_space<vmem>>
    tpu.enqueue_dma source(%dma_start3A_356 : memref<128x128xf32, #tpu.memory_space<vmem>>) target(%dma_start3A_352 : memref<128x128xf32, #tpu.memory_space<hbm>>) target_semaphore(%arg14 : memref<!tpu.dma_semaphore, #tpu.memory_space<semaphore_mem>>)
    %dma_wait3A_357 = arith.constant 0 : i32
    %dma_wait3A_358 = arith.constant 0 : i32
    %dma_wait3A_359 = arith.constant 0 : i32
    %dma_wait3A_360 = tpu.memref_slice %arg6[%dma_wait3A_357, %dma_wait3A_358, %dma_wait3A_359] : memref<6x128x128xf32, #tpu.memory_space<vmem>> -> memref<1x128x128xf32, #tpu.memory_space<vmem>>
    %dma_wait3A_361 = tpu.memref_squeeze %dma_wait3A_360 : memref<1x128x128xf32, #tpu.memory_space<vmem>> -> memref<128x128xf32, #tpu.memory_space<vmem>>
    %dma_wait3A_362 = arith.constant 0 : i32
    %dma_wait3A_363 = tpu.memref_slice %arg4[%select_n3A, %add3A_314, %dma_wait3A_362] : memref<4x8192x128xf32, #tpu.memory_space<hbm>> -> memref<1x128x128xf32, #tpu.memory_space<hbm>>
    %dma_wait3A_364 = tpu.memref_squeeze %dma_wait3A_363 : memref<1x128x128xf32, #tpu.memory_space<hbm>> -> memref<128x128xf32, #tpu.memory_space<hbm>>
    %dma_wait3A_365 = arith.constant 0 : i32
    %dma_wait3A_366 = tpu.memref_slice %arg4[%select_n3A, %add3A_314, %dma_wait3A_365] : memref<4x8192x128xf32, #tpu.memory_space<hbm>> -> memref<1x128x128xf32, #tpu.memory_space<hbm>>
    %dma_wait3A_367 = tpu.memref_squeeze %dma_wait3A_366 : memref<1x128x128xf32, #tpu.memory_space<hbm>> -> memref<128x128xf32, #tpu.memory_space<hbm>>
    %dma_wait3A_368 = arith.constant 0 : i32
    %dma_wait3A_369 = arith.constant 0 : i32
    %dma_wait3A_370 = tpu.memref_slice %arg6[%dma_wait3A_357, %dma_wait3A_368, %dma_wait3A_369] : memref<6x128x128xf32, #tpu.memory_space<vmem>> -> memref<1x128x128xf32, #tpu.memory_space<vmem>>
    %dma_wait3A_371 = tpu.memref_squeeze %dma_wait3A_370 : memref<1x128x128xf32, #tpu.memory_space<vmem>> -> memref<128x128xf32, #tpu.memory_space<vmem>>
    tpu.wait_dma2 semaphore(%arg13 : memref<!tpu.dma_semaphore, #tpu.memory_space<semaphore_mem>>) src(%dma_wait3A_371 : memref<128x128xf32, #tpu.memory_space<vmem>>) dst(%dma_wait3A_367 : memref<128x128xf32, #tpu.memory_space<hbm>>)
    %dma_wait3A_372 = arith.constant 1 : i32
    %dma_wait3A_373 = arith.constant 0 : i32
    %dma_wait3A_374 = arith.constant 0 : i32
    %dma_wait3A_375 = tpu.memref_slice %arg6[%dma_wait3A_372, %dma_wait3A_373, %dma_wait3A_374] : memref<6x128x128xf32, #tpu.memory_space<vmem>> -> memref<1x128x128xf32, #tpu.memory_space<vmem>>
    %dma_wait3A_376 = tpu.memref_squeeze %dma_wait3A_375 : memref<1x128x128xf32, #tpu.memory_space<vmem>> -> memref<128x128xf32, #tpu.memory_space<vmem>>
    %dma_wait3A_377 = arith.constant 0 : i32
    %dma_wait3A_378 = tpu.memref_slice %arg4[%select_n3A, %add3A_341, %dma_wait3A_377] : memref<4x8192x128xf32, #tpu.memory_space<hbm>> -> memref<1x128x128xf32, #tpu.memory_space<hbm>>
    %dma_wait3A_379 = tpu.memref_squeeze %dma_wait3A_378 : memref<1x128x128xf32, #tpu.memory_space<hbm>> -> memref<128x128xf32, #tpu.memory_space<hbm>>
    %dma_wait3A_380 = arith.constant 0 : i32
    %dma_wait3A_381 = tpu.memref_slice %arg4[%select_n3A, %add3A_341, %dma_wait3A_380] : memref<4x8192x128xf32, #tpu.memory_space<hbm>> -> memref<1x128x128xf32, #tpu.memory_space<hbm>>
    %dma_wait3A_382 = tpu.memref_squeeze %dma_wait3A_381 : memref<1x128x128xf32, #tpu.memory_space<hbm>> -> memref<128x128xf32, #tpu.memory_space<hbm>>
    %dma_wait3A_383 = arith.constant 0 : i32
    %dma_wait3A_384 = arith.constant 0 : i32
    %dma_wait3A_385 = tpu.memref_slice %arg6[%dma_wait3A_372, %dma_wait3A_383, %dma_wait3A_384] : memref<6x128x128xf32, #tpu.memory_space<vmem>> -> memref<1x128x128xf32, #tpu.memory_space<vmem>>
    %dma_wait3A_386 = tpu.memref_squeeze %dma_wait3A_385 : memref<1x128x128xf32, #tpu.memory_space<vmem>> -> memref<128x128xf32, #tpu.memory_space<vmem>>
    tpu.wait_dma2 semaphore(%arg14 : memref<!tpu.dma_semaphore, #tpu.memory_space<semaphore_mem>>) src(%dma_wait3A_386 : memref<128x128xf32, #tpu.memory_space<vmem>>) dst(%dma_wait3A_382 : memref<128x128xf32, #tpu.memory_space<hbm>>)
    %dma_wait3A_387 = arith.constant 2 : i32
    %dma_wait3A_388 = arith.constant 0 : i32
    %dma_wait3A_389 = arith.constant 0 : i32
    %dma_wait3A_390 = tpu.memref_slice %arg6[%dma_wait3A_387, %dma_wait3A_388, %dma_wait3A_389] : memref<6x128x128xf32, #tpu.memory_space<vmem>> -> memref<1x128x128xf32, #tpu.memory_space<vmem>>
    %dma_wait3A_391 = tpu.memref_squeeze %dma_wait3A_390 : memref<1x128x128xf32, #tpu.memory_space<vmem>> -> memref<128x128xf32, #tpu.memory_space<vmem>>
    %dma_wait3A_392 = arith.constant 0 : i32
    %dma_wait3A_393 = tpu.memref_slice %arg4[%select_n3A, %add3A_181, %dma_wait3A_392] : memref<4x8192x128xf32, #tpu.memory_space<hbm>> -> memref<1x128x128xf32, #tpu.memory_space<hbm>>
    %dma_wait3A_394 = tpu.memref_squeeze %dma_wait3A_393 : memref<1x128x128xf32, #tpu.memory_space<hbm>> -> memref<128x128xf32, #tpu.memory_space<hbm>>
    %dma_wait3A_395 = arith.constant 0 : i32
    %dma_wait3A_396 = tpu.memref_slice %arg4[%select_n3A, %add3A_181, %dma_wait3A_395] : memref<4x8192x128xf32, #tpu.memory_space<hbm>> -> memref<1x128x128xf32, #tpu.memory_space<hbm>>
    %dma_wait3A_397 = tpu.memref_squeeze %dma_wait3A_396 : memref<1x128x128xf32, #tpu.memory_space<hbm>> -> memref<128x128xf32, #tpu.memory_space<hbm>>
    %dma_wait3A_398 = arith.constant 0 : i32
    %dma_wait3A_399 = arith.constant 0 : i32
    %dma_wait3A_400 = tpu.memref_slice %arg6[%dma_wait3A_387, %dma_wait3A_398, %dma_wait3A_399] : memref<6x128x128xf32, #tpu.memory_space<vmem>> -> memref<1x128x128xf32, #tpu.memory_space<vmem>>
    %dma_wait3A_401 = tpu.memref_squeeze %dma_wait3A_400 : memref<1x128x128xf32, #tpu.memory_space<vmem>> -> memref<128x128xf32, #tpu.memory_space<vmem>>
    tpu.wait_dma2 semaphore(%arg15 : memref<!tpu.dma_semaphore, #tpu.memory_space<semaphore_mem>>) src(%dma_wait3A_401 : memref<128x128xf32, #tpu.memory_space<vmem>>) dst(%dma_wait3A_397 : memref<128x128xf32, #tpu.memory_space<hbm>>)
    %dma_wait3A_402 = arith.constant 3 : i32
    %dma_wait3A_403 = arith.constant 0 : i32
    %dma_wait3A_404 = arith.constant 0 : i32
    %dma_wait3A_405 = tpu.memref_slice %arg6[%dma_wait3A_402, %dma_wait3A_403, %dma_wait3A_404] : memref<6x128x128xf32, #tpu.memory_space<vmem>> -> memref<1x128x128xf32, #tpu.memory_space<vmem>>
    %dma_wait3A_406 = tpu.memref_squeeze %dma_wait3A_405 : memref<1x128x128xf32, #tpu.memory_space<vmem>> -> memref<128x128xf32, #tpu.memory_space<vmem>>
    %dma_wait3A_407 = arith.constant 0 : i32
    %dma_wait3A_408 = tpu.memref_slice %arg4[%select_n3A, %add3A_233, %dma_wait3A_407] : memref<4x8192x128xf32, #tpu.memory_space<hbm>> -> memref<1x128x128xf32, #tpu.memory_space<hbm>>
    %dma_wait3A_409 = tpu.memref_squeeze %dma_wait3A_408 : memref<1x128x128xf32, #tpu.memory_space<hbm>> -> memref<128x128xf32, #tpu.memory_space<hbm>>
    %dma_wait3A_410 = arith.constant 0 : i32
    %dma_wait3A_411 = tpu.memref_slice %arg4[%select_n3A, %add3A_233, %dma_wait3A_410] : memref<4x8192x128xf32, #tpu.memory_space<hbm>> -> memref<1x128x128xf32, #tpu.memory_space<hbm>>
    %dma_wait3A_412 = tpu.memref_squeeze %dma_wait3A_411 : memref<1x128x128xf32, #tpu.memory_space<hbm>> -> memref<128x128xf32, #tpu.memory_space<hbm>>
    %dma_wait3A_413 = arith.constant 0 : i32
    %dma_wait3A_414 = arith.constant 0 : i32
    %dma_wait3A_415 = tpu.memref_slice %arg6[%dma_wait3A_402, %dma_wait3A_413, %dma_wait3A_414] : memref<6x128x128xf32, #tpu.memory_space<vmem>> -> memref<1x128x128xf32, #tpu.memory_space<vmem>>
    %dma_wait3A_416 = tpu.memref_squeeze %dma_wait3A_415 : memref<1x128x128xf32, #tpu.memory_space<vmem>> -> memref<128x128xf32, #tpu.memory_space<vmem>>
    tpu.wait_dma2 semaphore(%arg16 : memref<!tpu.dma_semaphore, #tpu.memory_space<semaphore_mem>>) src(%dma_wait3A_416 : memref<128x128xf32, #tpu.memory_space<vmem>>) dst(%dma_wait3A_412 : memref<128x128xf32, #tpu.memory_space<hbm>>)
    %dma_wait3A_417 = arith.constant 4 : i32
    %dma_wait3A_418 = arith.constant 0 : i32
    %dma_wait3A_419 = arith.constant 0 : i32
    %dma_wait3A_420 = tpu.memref_slice %arg6[%dma_wait3A_417, %dma_wait3A_418, %dma_wait3A_419] : memref<6x128x128xf32, #tpu.memory_space<vmem>> -> memref<1x128x128xf32, #tpu.memory_space<vmem>>
    %dma_wait3A_421 = tpu.memref_squeeze %dma_wait3A_420 : memref<1x128x128xf32, #tpu.memory_space<vmem>> -> memref<128x128xf32, #tpu.memory_space<vmem>>
    %dma_wait3A_422 = arith.constant 0 : i32
    %dma_wait3A_423 = tpu.memref_slice %arg4[%select_n3A, %add3A_260, %dma_wait3A_422] : memref<4x8192x128xf32, #tpu.memory_space<hbm>> -> memref<1x128x128xf32, #tpu.memory_space<hbm>>
    %dma_wait3A_424 = tpu.memref_squeeze %dma_wait3A_423 : memref<1x128x128xf32, #tpu.memory_space<hbm>> -> memref<128x128xf32, #tpu.memory_space<hbm>>
    %dma_wait3A_425 = arith.constant 0 : i32
    %dma_wait3A_426 = tpu.memref_slice %arg4[%select_n3A, %add3A_260, %dma_wait3A_425] : memref<4x8192x128xf32, #tpu.memory_space<hbm>> -> memref<1x128x128xf32, #tpu.memory_space<hbm>>
    %dma_wait3A_427 = tpu.memref_squeeze %dma_wait3A_426 : memref<1x128x128xf32, #tpu.memory_space<hbm>> -> memref<128x128xf32, #tpu.memory_space<hbm>>
    %dma_wait3A_428 = arith.constant 0 : i32
    %dma_wait3A_429 = arith.constant 0 : i32
    %dma_wait3A_430 = tpu.memref_slice %arg6[%dma_wait3A_417, %dma_wait3A_428, %dma_wait3A_429] : memref<6x128x128xf32, #tpu.memory_space<vmem>> -> memref<1x128x128xf32, #tpu.memory_space<vmem>>
    %dma_wait3A_431 = tpu.memref_squeeze %dma_wait3A_430 : memref<1x128x128xf32, #tpu.memory_space<vmem>> -> memref<128x128xf32, #tpu.memory_space<vmem>>
    tpu.wait_dma2 semaphore(%arg17 : memref<!tpu.dma_semaphore, #tpu.memory_space<semaphore_mem>>) src(%dma_wait3A_431 : memref<128x128xf32, #tpu.memory_space<vmem>>) dst(%dma_wait3A_427 : memref<128x128xf32, #tpu.memory_space<hbm>>)
    %dma_wait3A_432 = arith.constant 5 : i32
    %dma_wait3A_433 = arith.constant 0 : i32
    %dma_wait3A_434 = arith.constant 0 : i32
    %dma_wait3A_435 = tpu.memref_slice %arg6[%dma_wait3A_432, %dma_wait3A_433, %dma_wait3A_434] : memref<6x128x128xf32, #tpu.memory_space<vmem>> -> memref<1x128x128xf32, #tpu.memory_space<vmem>>
    %dma_wait3A_436 = tpu.memref_squeeze %dma_wait3A_435 : memref<1x128x128xf32, #tpu.memory_space<vmem>> -> memref<128x128xf32, #tpu.memory_space<vmem>>
    %dma_wait3A_437 = arith.constant 0 : i32
    %dma_wait3A_438 = tpu.memref_slice %arg4[%select_n3A, %add3A_287, %dma_wait3A_437] : memref<4x8192x128xf32, #tpu.memory_space<hbm>> -> memref<1x128x128xf32, #tpu.memory_space<hbm>>
    %dma_wait3A_439 = tpu.memref_squeeze %dma_wait3A_438 : memref<1x128x128xf32, #tpu.memory_space<hbm>> -> memref<128x128xf32, #tpu.memory_space<hbm>>
    %dma_wait3A_440 = arith.constant 0 : i32
    %dma_wait3A_441 = tpu.memref_slice %arg4[%select_n3A, %add3A_287, %dma_wait3A_440] : memref<4x8192x128xf32, #tpu.memory_space<hbm>> -> memref<1x128x128xf32, #tpu.memory_space<hbm>>
    %dma_wait3A_442 = tpu.memref_squeeze %dma_wait3A_441 : memref<1x128x128xf32, #tpu.memory_space<hbm>> -> memref<128x128xf32, #tpu.memory_space<hbm>>
    %dma_wait3A_443 = arith.constant 0 : i32
    %dma_wait3A_444 = arith.constant 0 : i32
    %dma_wait3A_445 = tpu.memref_slice %arg6[%dma_wait3A_432, %dma_wait3A_443, %dma_wait3A_444] : memref<6x128x128xf32, #tpu.memory_space<vmem>> -> memref<1x128x128xf32, #tpu.memory_space<vmem>>
    %dma_wait3A_446 = tpu.memref_squeeze %dma_wait3A_445 : memref<1x128x128xf32, #tpu.memory_space<vmem>> -> memref<128x128xf32, #tpu.memory_space<vmem>>
    tpu.wait_dma2 semaphore(%arg18 : memref<!tpu.dma_semaphore, #tpu.memory_space<semaphore_mem>>) src(%dma_wait3A_446 : memref<128x128xf32, #tpu.memory_space<vmem>>) dst(%dma_wait3A_442 : memref<128x128xf32, #tpu.memory_space<hbm>>)
    return
  }
}

</mosaic_0001>

<sc_bundles>
// kernel: kernel.3.cloned.1.call-start
scs
__scs_entry_jumppad:
0x0: {  	(pc) =	sbr.rel $0x88, $3  }
0x1: {  	(tag) =	ssettag $0x0;
	lr =	simm.s32 $0x1  }
0x2: {  	[smem:$0x3F9F] =	sst lr;
	_ =	strace $0xD0000000  }
0x3: {  	_ = 	snop  }
0x4: {  	_ = 	snop  }
0x5: {  	_ = 	snop  }
0x6: {  	_ = 	snop  }
0x7: {  	_ = 	snop  }
__scs_overlays_trampoline_lowered:
0x8: {  	[smem:$0x3FAE] =	sst s0  }
0x9: {  	[smem:$0x3FAF] =	sst s1  }
0xa: {  	[smem:$0x3FB0] =	sst s2  }
0xb: {  	[smem:$0x3FB1] =	sst s3  }
0xc: {  	[smem:$0x3FB2] =	sst s4  }
0xd: {  	[smem:$0x3FB3] =	sst s5  }
0xe: {  	[smem:$0x3FB4] =	sst s6  }
0xf: {  	[smem:$0x3FB5] =	sst s7  }
0x10: {  	[smem:$0x3FB6] =	sst s8  }
0x11: {  	[smem:$0x3FB7] =	sst s9;
	s0 =	simm.s32 @!p0 $0x0  }
0x12: {  	s1 =	sld [smem:$0x3F9D];
	s0 =	simm.s32 @p0 $0x1  }
0x13: {  	[smem:$0x3FB8] =	sst s0;
	s0 =	simm.s32 @!p1 $0x0  }
0x14: {  	s2 =	sld [smem:$0x3F9C];
	s0 =	simm.s32 @p1 $0x1  }
0x15: {  	[smem:$0x3FB9] =	sst s0;
	s0 =	simm.s32 @!p2 $0x0  }
0x16: {  	s3 =	sld [smem:$0x3FDB];
	s0 =	simm.s32 @p2 $0x1  }
0x17: {  	s4 =	simm.s32 $0x1BF5;
	[smem:$0x3FBB] =	sst s0  }
0x18: {  	s0 =	sld [smem:$0x3F9E];
	_ =	swait.ge [sflag:s4], $0x0  }
0x19: {  	s7 =	sld [smem:$0x3F9F]  }
0x1a: {  	s8 =	sadd.s32 $0xFFFFE003, lr  }
0x1b: {  	s9 =	sadd.s32 $0xFFFFFEF7, lr;
	s5 =	simm.s32 $0xFFFFFFFF;
	p2 =	slt.u32 s8, $0xFFFFF086  }
0x1c: {  	p1 =	slt.u32 s9, $0xF7A;
	s5 =	simm.s32 @!p2 $0x0  }
0x1d: {  	s5 =	simm.s32 @p1 $0x1;
	p0 =	seq.s32 s7, s2  }
0x1e: {  	s7 =	smul.u32 @!p0 $0xF7A, s2;
	p2 =	seq.s32 @!p0 s5, $0x0  }
0x1f: {  	s9 =	smul.u32 $0xF7A, s1;
	s8 =	simm.s32 @!p0 $0x1BF5;
	p2 =	por !p2, p0  }
0x20: {  	[sflag:s8] =	ssyncset.s32 @!p0 $0xFFFFF086;
	s6 =	sadd.s32 @!p0 s3, s7;
	s7 =	simm.s32 @!p0 $0x108  }
0x21: {  	s3 =	sadd.s32 s3, s9;
	s6 =	sadd.s32 @!p0 $0x88, s6;
	s7 =	simm.s32 @p2 $0x1082  }
0x22: {  	[simem:s7], [sflag:s8] =	dma.local @!p0 [hbm:s6], $0xF7A  }
0x23: {  	s9 =	sor.u32 $0xD0000000, s2;
	s6 =	simm.s32 $0x108;
	_ =	swait.ge @!p0 [sflag:s8], $0x0  }
0x24: {  	s3 =	sadd.s32 $0x88, s3;
	s6 =	simm.s32 @!p1 $0x1082;
	[sflag:s4] =	ssyncset.s32 $0xFFFFF086  }
0x25: {  	[simem:s6], [sflag:s4] =	dma.local [hbm:s3], $0xF7A  }
0x26: {  	[smem:$0x3F9F] =	sst s1;
	(tag) =	ssettag s2;
	_ =	strace s9  }
0x27: {  	s1 =	sld [smem:$0x3FAF]  }
0x28: {  	s2 =	sld [smem:$0x3FB0]  }
0x29: {  	s4 =	sld [smem:$0x3FB2]  }
0x2a: {  	p0 =	seq.s32 s5, $0x0;
	s5 =	sld [smem:$0x3FB3]  }
0x2b: {  	s6 =	sld [smem:$0x3FB4]  }
0x2c: {  	s7 =	sld [smem:$0x3FB5]  }
0x2d: {  	s3 =	simm.s32 $0x108;
	s8 =	sld [smem:$0x3FB6]  }
0x2e: {  	s3 =	simm.s32 @!p0 $0x1082;
	s9 =	sld [smem:$0x3FB7]  }
0x2f: {  	lr =	sadd.s32 s0, s3;
	s0 =	sld [smem:$0x3FAE]  }
0x30: {  	s3 =	sld [smem:$0x3FB1]  }
0x31: {  	[smem:$0x3FBA] =	sst s10  }
0x32: {  	s10 =	sld [smem:$0x3FB8];
	_ =	sdelay $0x3  }
0x33: {  	p0 =	seq.s32 s10, $0x1;
	s10 =	sld [smem:$0x3FBA];
	_ =	sdelay $0x3  }
0x34: {  	[smem:$0x3FBA] =	sst s10  }
0x35: {  	s10 =	sld [smem:$0x3FB9];
	_ =	sdelay $0x3  }
0x36: {  	p1 =	seq.s32 s10, $0x1;
	s10 =	sld [smem:$0x3FBA];
	_ =	sdelay $0x3  }
0x37: {  	[smem:$0x3FBA] =	sst s10  }
0x38: {  	s10 =	sld [smem:$0x3FBB]  }
0x39: {  	_ = 	snop;
	(pc) =	sbr.ind lr, $3  }
0x3a: {  	_ = 	snop  }
0x3b: {  	_ = 	snop  }
0x3c: {  	p2 =	seq.s32 s10, $0x1;
	s10 =	sld [smem:$0x3FBA]  }
0x3d: {  	_ =	shalt  }
0x3e: {  	_ =	shalt  }
0x3f: {  	_ =	shalt  }
0x40: {  	_ =	shalt  }
0x41: {  	_ =	shalt  }
0x42: {  	_ =	shalt  }
0x43: {  	_ =	shalt  }
0x44: {  	_ =	shalt  }
0x45: {  	_ =	shalt  }
0x46: {  	_ =	shalt  }
0x47: {  	_ =	shalt  }
0x48: {  	_ =	shalt  }
0x49: {  	_ =	shalt  }
0x4a: {  	_ =	shalt  }
0x4b: {  	_ =	shalt  }
0x4c: {  	_ =	shalt  }
0x4d: {  	_ =	shalt  }
0x4e: {  	_ =	shalt  }
0x4f: {  	_ =	shalt  }
0x50: {  	_ =	shalt  }
0x51: {  	_ =	shalt  }
0x52: {  	_ =	shalt  }
0x53: {  	_ =	shalt  }
0x54: {  	_ =	shalt  }
0x55: {  	_ =	shalt  }
0x56: {  	_ =	shalt  }
0x57: {  	_ =	shalt  }
0x58: {  	_ =	shalt  }
0x59: {  	_ =	shalt  }
0x5a: {  	_ =	shalt  }
0x5b: {  	_ =	shalt  }
0x5c: {  	_ =	shalt  }
0x5d: {  	_ =	shalt  }
0x5e: {  	_ =	shalt  }
0x5f: {  	_ =	shalt  }
0x60: {  	_ =	shalt  }
0x61: {  	_ =	shalt  }
0x62: {  	_ =	shalt  }
0x63: {  	_ =	shalt  }
0x64: {  	_ =	shalt  }
0x65: {  	_ =	shalt  }
0x66: {  	_ =	shalt  }
0x67: {  	_ =	shalt  }
0x68: {  	_ =	shalt  }
0x69: {  	_ =	shalt  }
0x6a: {  	_ =	shalt  }
0x6b: {  	_ =	shalt  }
0x6c: {  	_ =	shalt  }
0x6d: {  	_ =	shalt  }
0x6e: {  	_ =	shalt  }
0x6f: {  	_ =	shalt  }
0x70: {  	_ =	shalt  }
0x71: {  	_ =	shalt  }
0x72: {  	_ =	shalt  }
0x73: {  	_ =	shalt  }
0x74: {  	_ =	shalt  }
0x75: {  	_ =	shalt  }
0x76: {  	_ =	shalt  }
0x77: {  	_ =	shalt  }
0x78: {  	_ =	shalt  }
0x79: {  	_ =	shalt  }
0x7a: {  	_ =	shalt  }
0x7b: {  	_ =	shalt  }
0x7c: {  	_ =	shalt  }
0x7d: {  	_ =	shalt  }
0x7e: {  	_ =	shalt  }
0x7f: {  	_ =	shalt  }
0x80: {  	_ =	shalt  }
0x81: {  	_ =	shalt  }
0x82: {  	_ =	shalt  }
0x83: {  	_ =	shalt  }
0x84: {  	_ =	shalt  }
0x85: {  	_ =	shalt  }
0x86: {  	_ =	shalt  }
0x87: {  	_ =	shalt  }
.Lfunc_end0:
.L_simem_size_0:
called_computation_lowered:
.L_overlay_start_0:
0x88: {  	s2 =	sld [smem:$0x3FD9]  }
0x89: {  	s3 =	sld [smem:$0x3FFE];
	_ =	sdelay $0x1  }
0x8a: {  	s1 =	srdreg.scid  }
0x8b: {  	s0 =	sand.u32 $0x1, s1  }
0x8c: {  	s18 =	sshll.u32 s0, $0xA;
	s2 =	sadd.s32 s3, s2  }
0x8d: {  	s2 =	sadd.s32 s2, s18  }
0x8e: {  	[smem:$0x3FC6] =	sst s2  }
0x8f: {  	_ = 	snop  }
0x90: {  	s2 =	sld [smem:$0x3FC9]  }
0x91: {  	s19 =	sld [smem:$0x3FC8]  }
0x92: {  	s4 =	sld [smem:$0x3FD0];
	(tm) =	ssettm $0x1  }
0x93: {  	s5 =	sld [smem:$0x3FFB];
	_ =	sdelay $0x3  }
0x94: {  	_ =	strace s5  }
0x95: {  	s5 =	sld [smem:$0x3FFC];
	_ =	sdelay $0x3  }
0x96: {  	_ =	strace s5  }
0x97: {  	s5 =	sld [smem:$0x3FFD];
	_ =	sdelay $0x3  }
0x98: {  	_ =	strace s5  }
0x99: {  	_ =	strace $0x8FFFFFFF  }
0x9a: {  	s20 =	sld [smem:$0x3FDB];
	_ =	sdelay $0x1  }
0x9b: {  	s6 =	simm.s32 $_scs_section_size  }
0x9c: {  	s7 =	simm.s32 $_size__tile_overlayer_lowered;
	s8 =	simm.s32 $_tile_overlayer_lowered  }
0x9d: {  	s23 =	simm.s32 $0x1BFF;
	s22 =	sshll.u32 s8, $0x1;
	s5 =	sadd.s32 s6, s20  }
0x9e: {  	s9 =	simm.s32 $0x0;
	s21 =	sshll.u32 s7, $0x1;
	s7 =	sadd.s32 s22, s5  }
0x9f: {  	[timem:s9], [sflag:s23] =	dma.local [hbm:s7], s21  }
0xa0: {  	_ =	swait.ge [sflag:s23], s21  }
0xa1: {  	s6 =	ssub.s32 $0x0, s21;
	[sflag:s23] =	ssyncset.done $0x0  }
0xa2: {  	[sflag:s23] =	ssyncadd.s32 s6;
	_ =	sdelay $0x1  }
0xa3: {  	s24 =	simm.s32 $0x1B8B  }
0xa4: {  	_ =	swait.ge [sflag:s24], $0x1  }
0xa5: {  	[sflag:s24] =	ssyncset.done $0x0  }
0xa6: {  	s25 =	simm.s32 $0x1B8E;
	[sflag:s24] =	ssyncadd.s32 $0xFFFFFFFF  }
0xa7: {  	s26 =	simm.s32 $execute0_lowered;
	[smem:$0x3FD2] =	sst s25  }
0xa8: {  	s6 =	sshll.u32 s26, $0x1;
	_ =	strace $0x80000046;
	[dreg:$0x1] =	wrdreg $0xFFFFFFFF  }
0xa9: {  	s28 =	simm.s32 $_size_execute0_lowered;
	s5 =	sadd.s32 s5, s6;
	[dreg:$0x0] =	wrdreg $0x0  }
0xaa: {  	s6 =	sshll.u32 s28, $0x1;
	[dreg:$0x2] =	wrdreg s5  }
0xab: {  	[dreg:$0x3] =	wrdreg s6  }
0xac: {  	[dreg:$0x4] =	wrdreg $0xC0  }
0xad: {  	_ =	task [dreg:s9], $0x5FFFF  }
0xae: {  	[dreg:$0x1] =	wrdreg $0xFFFFFFFF  }
0xaf: {  	[dreg:$0x0] =	wrdreg $0x60  }
0xb0: {  	[dreg:$0x2] =	wrdreg s2  }
0xb1: {  	[dreg:$0x3] =	wrdreg s19  }
0xb2: {  	[dreg:$0x4] =	wrdreg s4  }
0xb3: {  	[dreg:$0x5] =	wrdreg $0x9  }
0xb4: {  	_ =	task.clear_ibuf [dreg:s9], $0x6FFFF;
	_ =	strace $0x90000046  }
0xb5: {  	s29 =	simm.s32 $0x9;
	_ =	strace $0x80000048  }
0xb6: {  	_ =	swait.ge [sflag:s29], $0x1  }
0xb7: {  	[sflag:s29] =	ssyncadd.s32 $0xFFFFFFFF  }
0xb8: {  	_ =	strace $0x90000048  }
0xb9: {  	_ =	sfence  }
0xba: {  	s30 =	sld [smem:$0x0];
	_ =	sdelay $0x2  }
0xbb: {  	s31 =	sshll.u32 s1, $0xD;
	s1 =	sshrl.u32 s1, $0x2  }
0xbc: {  	s3 =	sand.u32 $0x4000, s31;
	s1 =	sadd.s32 s1, s30  }
0xbd: {  	s0 =	sor.u32 s3, s0;
	s1 =	sshll.u32 s1, $0x11  }
0xbe: {  	s0 =	sor.u32 s1, s0  }
0xbf: {  	s0 =	sadd.s32 $0x8F2B, s0  }
0xc0: {  	[sflag:s0] =	ssyncadd.remote.s32 $0x1  }
0xc1: {  	_ =	sfence.sel $0xFFFF  }
0xc2: {  	[dreg:$0x0] =	wrdreg $0xFFFFFFFF;
	(pc) =	sbr.abs _section_cstart, $3  }
0xc3: {  	[dreg:$0x1] =	wrdreg $0xFFFFFFFF  }
0xc4: {  	_ =	task.clear_ibuf [dreg:s9], $0x2FFFF;
	_ =	strace $0x9FFFFFFF  }
0xc5: {  	(tm) =	ssettm $0x7FFFFFFF  }
tec
execute0_lowered:
.L_overlay_start_1:
0x0: {  	(tag) =	ssettag $0x1  }
0x1: {  	s0 =	rddreg [dreg:$0x0]  }
0x2: {  	s3 =	rddreg [dreg:$0x1]  }
0x3: {  	s1 =	rddreg [dreg:$0x2]  }
0x4: {  	s6 =	stileid.u32;
	s4 =	srdreg.scid  }
0x5: {  	s2 =	simm.s32 $0x0;
	s25 =	simm.s32 $0x200;
	s29 =	simm.s32 $0xD  }
0x6: {  	s30 =	simm.s32 $0x100;
	s31 =	simm.s32 $0x180;
	s28 =	simm.s32 $0x280  }
0x7: {  	s10 =	simm.s32 $0x2;
	s26 =	simm.s32 $0x300;
	s24 =	simm.s32 $0x3  }
0x8: {  	s23 =	simm.s32 $0x380;
	s22 =	simm.s32 $0x4;
	p0 =	por $0x0, $0x0  }
0x9: {  	s11 =	simm.s32 $0xA;
	s9 =	simm.s32 $0xB;
	s5 =	sshll.u32 s6, $0x1  }
0xa: {  	s4 =	sand.u32 $0x1, s4;
	[smem:$0x7FF] =	sst s2;
	s6 =	sshrl.u32 s6, $0x2  }
0xb: {  	s5 =	sand.u32 $0x6, s5;
	s8 =	sshll.u32 s6, $0x4;
	s6 =	sshll.u32 s6, $0x11  }
0xc: {  	_ =	strace $0x80000047;
	s17 =	ssub.s32 $0x2, s4;
	s5 =	sor.u32 s4, s5  }
0xd: {  	s0 =	sadd.s32 s0, s8;
	s7 =	sshll.u32 s5, $0xE;
	s5 =	sshll.u32 s5, $0x9  }
0xe: {  	s4 =	sshrl.u32 s17, $0x1;
	s6 =	sor.u32 s6, s7;
	s0 =	sadd.s32 s5, s0  }
0xf: {  	s15 =	sadd.s32 s1, s6;
	[dreg:$0x4] =	wrdreg s0;
	s1 =	ssub.s32 s17, s4  }
0x10: {  	s12 =	sadd.s32 $0x800, s15;
	s21 =	smax.u32 s1, $0x1;
	s1 =	rddreg [dreg:$0x4]  }
0x11: {  	s8 =	simm.s32 $0x8;
	s13 =	sadd.s32 $0x1000, s15;
	[dreg:$0x5] =	wrdreg s12  }
0x12: {  	s5 =	simm.s32 $0x400;
	s14 =	sadd.s32 $0x1800, s15;
	[dreg:$0x6] =	wrdreg s13  }
0x13: {  	s7 =	simm.s32 $0x7;
	s16 =	sadd.s32 $0x2000, s15;
	[dreg:$0x7] =	wrdreg s14  }
0x14: {  	s17 =	simm.s32 $0x80;
	s18 =	sadd.s32 $0x2800, s15;
	[dreg:$0x8] =	wrdreg s16  }
0x15: {  	s19 =	sadd.s32 $0x3000, s15;
	[dreg:$0x9] =	wrdreg s18;
	p1 =	sne.s32 s21, $0x1  }
.Ltmp0:
0x16: {  	s20 =	sadd.s32 $0x3800, s15;
	[dreg:$0xa] =	wrdreg s19;
	(pc) =	sbr.rel @!p1 .LBB2_3-.Ltmp0, $4  }
0x17: {  	s4 =	simm.s32 $0x4400;
	s6 =	simm.s32 $0xC;
	[dreg:$0xb] =	wrdreg s20  }
0x18: {  	s19 =	simm.s32 $0x8400;
	s18 =	simm.s32 $0xC400;
	s16 =	simm.s32 $0x10400  }
0x19: {  	s12 =	simm.s32 $0x1;
	s14 =	simm.s32 $0x14400;
	s0 =	sadd.s32 $0xFFFFFFFF, s21  }
0x1a: {  	s21 =	simm.s32 $0x5;
	s20 =	simm.s32 $0x6;
	s13 =	simm.s32 $0x9  }
0x1b: {  	[tilespmem:s2], [sflag:$0xD] =	stream.strided.gather [hbm4b:s1+s17], $0x400, s25, s17, $0x38;
	[tilespmem:$0x18400] =	vst v63  }
0x1c: {  	_ =	swait.ge [sflag:s29], $0x400  }
0x1d: {  	[sflag:s29] =	ssyncset.done $0x0  }
0x1e: {  	[sflag:s29] =	ssyncadd.s32 $0xFFFFFC00  }
0x1f: {  	[tilespmem:s5], [sflag:$0x1] =	stream.indirect.gather [hbm4b:s3+s17], $0x80, s2, s17, $0xb8;
	[tilespmem:$0x18400] =	vst v63  }
0x20: {  	_ = 	snop  }
0x21: {  	[tilespmem:s4], [sflag:$0x2] =	stream.indirect.gather [hbm4b:s3+s17], $0x80, s17, s17, $0xb8;
	[tilespmem:$0x18400] =	vst v63  }
0x22: {  	_ = 	snop  }
0x23: {  	[tilespmem:s19], [sflag:$0x3] =	stream.indirect.gather [hbm4b:s3+s17], $0x80, s30, s17, $0xb8;
	[tilespmem:$0x18400] =	vst v63  }
0x24: {  	_ = 	snop  }
0x25: {  	[tilespmem:s18], [sflag:$0x4] =	stream.indirect.gather [hbm4b:s3+s17], $0x80, s31, s17, $0xb8;
	[tilespmem:$0x18400] =	vst v63  }
0x26: {  	_ = 	snop  }
0x27: {  	[tilespmem:s16], [sflag:$0x5] =	stream.indirect.gather [hbm4b:s3+s17], $0x80, s25, s17, $0xb8;
	[tilespmem:$0x18400] =	vst v63  }
0x28: {  	_ =	swait.ge [sflag:s12], $0x4000  }
0x29: {  	[sflag:s12] =	ssyncset.done $0x0  }
0x2a: {  	[sflag:s12] =	ssyncadd.s32 $0xFFFFC000  }
0x2b: {  	[hbm4b:s15+s2] =	stream.linear.scatter [tilespmem:s5], [sflag:$0x7], $0x4000, $0x38;
	[tilespmem:$0x18400] =	vst v63  }
0x2c: {  	_ = 	snop  }
0x2d: {  	[tilespmem:s14], [sflag:$0x6] =	stream.indirect.gather [hbm4b:s3+s17], $0x80, s28, s17, $0xb8;
	[tilespmem:$0x18400] =	vst v63  }
0x2e: {  	_ =	swait.ge [sflag:s10], $0x4000  }
0x2f: {  	[sflag:s10] =	ssyncset.done $0x0  }
0x30: {  	s1 =	rddreg [dreg:$0x5];
	[sflag:s10] =	ssyncadd.s32 $0xFFFFC000  }
0x31: {  	[hbm4b:s1+s2] =	stream.linear.scatter [tilespmem:s4], [sflag:$0x8], $0x4000, $0x38;
	[tilespmem:$0x18400] =	vst v63  }
0x32: {  	_ =	swait.ge [sflag:s7], $0x4000  }
0x33: {  	[sflag:s7] =	ssyncset.done $0x0  }
0x34: {  	[sflag:s7] =	ssyncadd.s32 $0xFFFFC000  }
0x35: {  	[tilespmem:s5], [sflag:$0x1] =	stream.indirect.gather [hbm4b:s3+s17], $0x80, s26, s17, $0xb8;
	[tilespmem:$0x18400] =	vst v63  }
0x36: {  	_ =	swait.ge [sflag:s24], $0x4000  }
0x37: {  	[sflag:s24] =	ssyncset.done $0x0  }
0x38: {  	s1 =	rddreg [dreg:$0x6];
	[sflag:s24] =	ssyncadd.s32 $0xFFFFC000  }
0x39: {  	[hbm4b:s1+s2] =	stream.linear.scatter [tilespmem:s19], [sflag:$0x9], $0x4000, $0x38;
	[tilespmem:$0x18400] =	vst v63  }
0x3a: {  	_ =	swait.ge [sflag:s8], $0x4000  }
0x3b: {  	[sflag:s8] =	ssyncset.done $0x0  }
0x3c: {  	[sflag:s8] =	ssyncadd.s32 $0xFFFFC000  }
0x3d: {  	[tilespmem:s4], [sflag:$0x2] =	stream.indirect.gather [hbm4b:s3+s17], $0x80, s23, s17, $0xb8;
	[tilespmem:$0x18400] =	vst v63  }
0x3e: {  	_ =	swait.ge [sflag:s22], $0x4000  }
0x3f: {  	[sflag:s22] =	ssyncset.done $0x0  }
0x40: {  	s1 =	rddreg [dreg:$0x7];
	[sflag:s22] =	ssyncadd.s32 $0xFFFFC000  }
0x41: {  	[hbm4b:s1+s2] =	stream.linear.scatter [tilespmem:s18], [sflag:$0xA], $0x4000, $0x38;
	[tilespmem:$0x18400] =	vst v63  }
0x42: {  	_ =	swait.ge [sflag:s21], $0x4000  }
0x43: {  	[sflag:s21] =	ssyncset.done $0x0  }
0x44: {  	s1 =	rddreg [dreg:$0x8];
	[sflag:s21] =	ssyncadd.s32 $0xFFFFC000  }
0x45: {  	[hbm4b:s1+s2] =	stream.linear.scatter [tilespmem:s16], [sflag:$0xB], $0x4000, $0x38;
	[tilespmem:$0x18400] =	vst v63  }
0x46: {  	_ =	swait.ge [sflag:s20], $0x4000  }
0x47: {  	[sflag:s20] =	ssyncset.done $0x0  }
0x48: {  	s1 =	rddreg [dreg:$0x9];
	[sflag:s20] =	ssyncadd.s32 $0xFFFFC000  }
0x49: {  	[hbm4b:s1+s2] =	stream.linear.scatter [tilespmem:s14], [sflag:$0xC], $0x4000, $0x38;
	[tilespmem:$0x18400] =	vst v63  }
0x4a: {  	_ =	swait.ge [sflag:s12], $0x4000  }
0x4b: {  	[sflag:s12] =	ssyncset.done $0x0  }
0x4c: {  	s1 =	rddreg [dreg:$0xa];
	[sflag:s12] =	ssyncadd.s32 $0xFFFFC000  }
0x4d: {  	[hbm4b:s1+s2] =	stream.linear.scatter [tilespmem:s5], [sflag:$0x7], $0x4000, $0x38;
	[tilespmem:$0x18400] =	vst v63  }
0x4e: {  	_ =	swait.ge [sflag:s10], $0x4000  }
0x4f: {  	[sflag:s10] =	ssyncset.done $0x0  }
0x50: {  	s1 =	rddreg [dreg:$0xb];
	[sflag:s10] =	ssyncadd.s32 $0xFFFFC000  }
0x51: {  	[hbm4b:s1+s2] =	stream.linear.scatter [tilespmem:s4], [sflag:$0x8], $0x4000, $0x38;
	[tilespmem:$0x18400] =	vst v63  }
0x52: {  	_ =	swait.ge [sflag:s7], $0x4000  }
0x53: {  	[sflag:s7] =	ssyncset.done $0x0  }
0x54: {  	[sflag:s7] =	ssyncadd.s32 $0xFFFFC000  }
0x55: {  	_ =	swait.ge [sflag:s8], $0x4000  }
0x56: {  	[sflag:s8] =	ssyncset.done $0x0  }
0x57: {  	[sflag:s8] =	ssyncadd.s32 $0xFFFFC000  }
0x58: {  	_ =	swait.ge [sflag:s13], $0x4000  }
0x59: {  	[sflag:s13] =	ssyncset.done $0x0  }
0x5a: {  	[sflag:s13] =	ssyncadd.s32 $0xFFFFC000  }
0x5b: {  	_ =	swait.ge [sflag:s11], $0x4000  }
0x5c: {  	[sflag:s11] =	ssyncset.done $0x0  }
0x5d: {  	p1 =	sne.s32 s0, $0x1;
	[sflag:s11] =	ssyncadd.s32 $0xFFFFC000  }
.Ltmp1:
0x5e: {  	_ =	swait.ge [sflag:s9], $0x4000;
	(pc) =	sbr.rel @!p1 .LBB2_3-.Ltmp1, $4  }
0x5f: {  	[sflag:s9] =	ssyncset.done $0x0  }
0x60: {  	[sflag:s9] =	ssyncadd.s32 $0xFFFFC000  }
0x61: {  	s0 =	sadd.s32 $0xFFFFFFFF, s0;
	_ =	swait.ge [sflag:s6], $0x4000  }
0x62: {  	p0 =	por $0x1, $0x1;
	s1 =	rddreg [dreg:$0x4];
	[sflag:s6] =	ssyncset.done $0x0  }
.LBB2_2:
0x63: {  	[sflag:s6] =	ssyncadd.s32 $0xFFFFC000  }
0x64: {  	[tilespmem:s2], [sflag:$0xD] =	stream.strided.gather [hbm4b:s1+s17], $0x400, s25, s17, $0x38;
	[tilespmem:$0x18400] =	vst v63  }
0x65: {  	_ =	swait.ge [sflag:s29], $0x400  }
0x66: {  	[sflag:s29] =	ssyncset.done $0x0  }
0x67: {  	[sflag:s29] =	ssyncadd.s32 $0xFFFFFC00  }
0x68: {  	[tilespmem:s5], [sflag:$0x1] =	stream.indirect.gather [hbm4b:s3+s17], $0x80, s2, s17, $0xb8;
	[tilespmem:$0x18400] =	vst v63  }
0x69: {  	_ = 	snop  }
0x6a: {  	[tilespmem:s4], [sflag:$0x2] =	stream.indirect.gather [hbm4b:s3+s17], $0x80, s17, s17, $0xb8;
	[tilespmem:$0x18400] =	vst v63  }
0x6b: {  	_ = 	snop  }
0x6c: {  	[tilespmem:s19], [sflag:$0x3] =	stream.indirect.gather [hbm4b:s3+s17], $0x80, s30, s17, $0xb8;
	[tilespmem:$0x18400] =	vst v63  }
0x6d: {  	_ = 	snop  }
0x6e: {  	[tilespmem:s18], [sflag:$0x4] =	stream.indirect.gather [hbm4b:s3+s17], $0x80, s31, s17, $0xb8;
	[tilespmem:$0x18400] =	vst v63  }
0x6f: {  	_ = 	snop  }
0x70: {  	[tilespmem:s16], [sflag:$0x5] =	stream.indirect.gather [hbm4b:s3+s17], $0x80, s25, s17, $0xb8;
	[tilespmem:$0x18400] =	vst v63  }
0x71: {  	_ =	swait.ge [sflag:s12], $0x4000  }
0x72: {  	[sflag:s12] =	ssyncset.done $0x0  }
0x73: {  	[sflag:s12] =	ssyncadd.s32 $0xFFFFC000  }
0x74: {  	[hbm4b:s15+s2] =	stream.linear.scatter [tilespmem:s5], [sflag:$0x7], $0x4000, $0x38;
	[tilespmem:$0x18400] =	vst v63  }
0x75: {  	_ = 	snop  }
0x76: {  	[tilespmem:s14], [sflag:$0x6] =	stream.indirect.gather [hbm4b:s3+s17], $0x80, s28, s17, $0xb8;
	[tilespmem:$0x18400] =	vst v63  }
0x77: {  	_ =	swait.ge [sflag:s10], $0x4000  }
0x78: {  	[sflag:s10] =	ssyncset.done $0x0  }
0x79: {  	s1 =	rddreg [dreg:$0x5];
	[sflag:s10] =	ssyncadd.s32 $0xFFFFC000  }
0x7a: {  	[hbm4b:s1+s2] =	stream.linear.scatter [tilespmem:s4], [sflag:$0x8], $0x4000, $0x38;
	[tilespmem:$0x18400] =	vst v63  }
0x7b: {  	_ =	swait.ge [sflag:s7], $0x4000  }
0x7c: {  	[sflag:s7] =	ssyncset.done $0x0  }
0x7d: {  	[sflag:s7] =	ssyncadd.s32 $0xFFFFC000  }
0x7e: {  	[tilespmem:s5], [sflag:$0x1] =	stream.indirect.gather [hbm4b:s3+s17], $0x80, s26, s17, $0xb8;
	[tilespmem:$0x18400] =	vst v63  }
0x7f: {  	_ =	swait.ge [sflag:s24], $0x4000  }
0x80: {  	[sflag:s24] =	ssyncset.done $0x0  }
0x81: {  	s1 =	rddreg [dreg:$0x6];
	[sflag:s24] =	ssyncadd.s32 $0xFFFFC000  }
0x82: {  	[hbm4b:s1+s2] =	stream.linear.scatter [tilespmem:s19], [sflag:$0x9], $0x4000, $0x38;
	[tilespmem:$0x18400] =	vst v63  }
0x83: {  	_ =	swait.ge [sflag:s8], $0x4000  }
0x84: {  	[sflag:s8] =	ssyncset.done $0x0  }
0x85: {  	[sflag:s8] =	ssyncadd.s32 $0xFFFFC000  }
0x86: {  	[tilespmem:s4], [sflag:$0x2] =	stream.indirect.gather [hbm4b:s3+s17], $0x80, s23, s17, $0xb8;
	[tilespmem:$0x18400] =	vst v63  }
0x87: {  	_ =	swait.ge [sflag:s22], $0x4000  }
0x88: {  	[sflag:s22] =	ssyncset.done $0x0  }
0x89: {  	s1 =	rddreg [dreg:$0x7];
	[sflag:s22] =	ssyncadd.s32 $0xFFFFC000  }
0x8a: {  	[hbm4b:s1+s2] =	stream.linear.scatter [tilespmem:s18], [sflag:$0xA], $0x4000, $0x38;
	[tilespmem:$0x18400] =	vst v63  }
0x8b: {  	_ =	swait.ge [sflag:s21], $0x4000  }
0x8c: {  	[sflag:s21] =	ssyncset.done $0x0  }
0x8d: {  	s1 =	rddreg [dreg:$0x8];
	[sflag:s21] =	ssyncadd.s32 $0xFFFFC000  }
0x8e: {  	[hbm4b:s1+s2] =	stream.linear.scatter [tilespmem:s16], [sflag:$0xB], $0x4000, $0x38;
	[tilespmem:$0x18400] =	vst v63  }
0x8f: {  	_ =	swait.ge [sflag:s20], $0x4000  }
0x90: {  	[sflag:s20] =	ssyncset.done $0x0  }
0x91: {  	s1 =	rddreg [dreg:$0x9];
	[sflag:s20] =	ssyncadd.s32 $0xFFFFC000  }
0x92: {  	[hbm4b:s1+s2] =	stream.linear.scatter [tilespmem:s14], [sflag:$0xC], $0x4000, $0x38;
	[tilespmem:$0x18400] =	vst v63  }
0x93: {  	_ =	swait.ge [sflag:s12], $0x4000  }
0x94: {  	[sflag:s12] =	ssyncset.done $0x0  }
0x95: {  	s1 =	rddreg [dreg:$0xa];
	[sflag:s12] =	ssyncadd.s32 $0xFFFFC000  }
0x96: {  	[hbm4b:s1+s2] =	stream.linear.scatter [tilespmem:s5], [sflag:$0x7], $0x4000, $0x38;
	[tilespmem:$0x18400] =	vst v63  }
0x97: {  	_ =	swait.ge [sflag:s10], $0x4000  }
0x98: {  	[sflag:s10] =	ssyncset.done $0x0  }
0x99: {  	s1 =	rddreg [dreg:$0xb];
	[sflag:s10] =	ssyncadd.s32 $0xFFFFC000  }
0x9a: {  	[hbm4b:s1+s2] =	stream.linear.scatter [tilespmem:s4], [sflag:$0x8], $0x4000, $0x38;
	[tilespmem:$0x18400] =	vst v63  }
0x9b: {  	_ =	swait.ge [sflag:s7], $0x4000  }
0x9c: {  	[sflag:s7] =	ssyncset.done $0x0  }
0x9d: {  	[sflag:s7] =	ssyncadd.s32 $0xFFFFC000  }
0x9e: {  	_ =	swait.ge [sflag:s8], $0x4000  }
0x9f: {  	[sflag:s8] =	ssyncset.done $0x0  }
0xa0: {  	[sflag:s8] =	ssyncadd.s32 $0xFFFFC000  }
0xa1: {  	_ =	swait.ge [sflag:s13], $0x4000  }
0xa2: {  	[sflag:s13] =	ssyncset.done $0x0  }
0xa3: {  	[sflag:s13] =	ssyncadd.s32 $0xFFFFC000  }
0xa4: {  	_ =	swait.ge [sflag:s11], $0x4000  }
0xa5: {  	[sflag:s11] =	ssyncset.done $0x0  }
0xa6: {  	p1 =	sne.s32 s0, $0x1;
	[sflag:s11] =	ssyncadd.s32 $0xFFFFC000  }
.Ltmp2:
0xa7: {  	_ =	swait.ge [sflag:s9], $0x4000;
	(pc) =	sbr.rel @p1 .LBB2_2-.Ltmp2, $4  }
0xa8: {  	[sflag:s9] =	ssyncset.done $0x0  }
0xa9: {  	[sflag:s9] =	ssyncadd.s32 $0xFFFFC000  }
0xaa: {  	_ =	swait.ge [sflag:s6], $0x4000  }
0xab: {  	s0 =	sadd.s32 $0xFFFFFFFF, s0;
	s1 =	rddreg [dreg:$0x4];
	[sflag:s6] =	ssyncset.done $0x0  }
.LBB2_3:
0xac: {  	[sflag:s6] =	ssyncadd.s32 @p0 $0xFFFFC000  }
0xad: {  	[tilespmem:s2], [sflag:$0xD] =	stream.strided.gather [hbm4b:s1+s17], $0x400, s25, s17, $0x38;
	[tilespmem:$0x18400] =	vst v63  }
0xae: {  	_ =	swait.ge [sflag:s29], $0x400  }
0xaf: {  	[sflag:s29] =	ssyncset.done $0x0  }
0xb0: {  	[sflag:s29] =	ssyncadd.s32 $0xFFFFFC00  }
0xb1: {  	[tilespmem:s5], [sflag:$0x1] =	stream.indirect.gather [hbm4b:s3+s17], $0x80, s2, s17, $0xb8;
	[tilespmem:$0x18400] =	vst v63  }
0xb2: {  	_ = 	snop  }
0xb3: {  	[tilespmem:s4], [sflag:$0x2] =	stream.indirect.gather [hbm4b:s3+s17], $0x80, s17, s17, $0xb8;
	[tilespmem:$0x18400] =	vst v63  }
0xb4: {  	_ = 	snop  }
0xb5: {  	[tilespmem:s19], [sflag:$0x3] =	stream.indirect.gather [hbm4b:s3+s17], $0x80, s30, s17, $0xb8;
	[tilespmem:$0x18400] =	vst v63  }
0xb6: {  	_ = 	snop  }
0xb7: {  	[tilespmem:s18], [sflag:$0x4] =	stream.indirect.gather [hbm4b:s3+s17], $0x80, s31, s17, $0xb8;
	[tilespmem:$0x18400] =	vst v63  }
0xb8: {  	_ = 	snop  }
0xb9: {  	[tilespmem:s16], [sflag:$0x5] =	stream.indirect.gather [hbm4b:s3+s17], $0x80, s25, s17, $0xb8;
	[tilespmem:$0x18400] =	vst v63  }
0xba: {  	_ =	swait.ge [sflag:s12], $0x4000  }
0xbb: {  	[sflag:s12] =	ssyncset.done $0x0  }
0xbc: {  	[sflag:s12] =	ssyncadd.s32 $0xFFFFC000  }
0xbd: {  	[hbm4b:s15+s2] =	stream.linear.scatter [tilespmem:s5], [sflag:$0x7], $0x4000, $0x38;
	[tilespmem:$0x18400] =	vst v63  }
0xbe: {  	_ = 	snop  }
0xbf: {  	[tilespmem:s14], [sflag:$0x6] =	stream.indirect.gather [hbm4b:s3+s17], $0x80, s28, s17, $0xb8;
	[tilespmem:$0x18400] =	vst v63  }
0xc0: {  	_ =	swait.ge [sflag:s10], $0x4000  }
0xc1: {  	[sflag:s10] =	ssyncset.done $0x0  }
0xc2: {  	s0 =	rddreg [dreg:$0x5];
	[sflag:s10] =	ssyncadd.s32 $0xFFFFC000  }
0xc3: {  	[hbm4b:s0+s2] =	stream.linear.scatter [tilespmem:s4], [sflag:$0x8], $0x4000, $0x38;
	[tilespmem:$0x18400] =	vst v63  }
0xc4: {  	_ =	swait.ge [sflag:s7], $0x4000  }
0xc5: {  	[sflag:s7] =	ssyncset.done $0x0  }
0xc6: {  	[sflag:s7] =	ssyncadd.s32 $0xFFFFC000  }
0xc7: {  	[tilespmem:s5], [sflag:$0x1] =	stream.indirect.gather [hbm4b:s3+s17], $0x80, s26, s17, $0xb8;
	[tilespmem:$0x18400] =	vst v63  }
0xc8: {  	_ =	swait.ge [sflag:s24], $0x4000  }
0xc9: {  	[sflag:s24] =	ssyncset.done $0x0  }
0xca: {  	s15 =	rddreg [dreg:$0x6];
	[sflag:s24] =	ssyncadd.s32 $0xFFFFC000  }
0xcb: {  	[hbm4b:s15+s2] =	stream.linear.scatter [tilespmem:s19], [sflag:$0x9], $0x4000, $0x38;
	[tilespmem:$0x18400] =	vst v63  }
0xcc: {  	_ =	swait.ge [sflag:s8], $0x4000  }
0xcd: {  	[sflag:s8] =	ssyncset.done $0x0  }
0xce: {  	[sflag:s8] =	ssyncadd.s32 $0xFFFFC000  }
0xcf: {  	[tilespmem:s4], [sflag:$0x2] =	stream.indirect.gather [hbm4b:s3+s17], $0x80, s23, s17, $0xb8;
	[tilespmem:$0x18400] =	vst v63  }
0xd0: {  	_ =	swait.ge [sflag:s22], $0x4000  }
0xd1: {  	[sflag:s22] =	ssyncset.done $0x0  }
0xd2: {  	s25 =	rddreg [dreg:$0x7];
	[sflag:s22] =	ssyncadd.s32 $0xFFFFC000  }
0xd3: {  	[hbm4b:s25+s2] =	stream.linear.scatter [tilespmem:s18], [sflag:$0xA], $0x4000, $0x38;
	[tilespmem:$0x18400] =	vst v63  }
0xd4: {  	_ =	swait.ge [sflag:s21], $0x4000  }
0xd5: {  	[sflag:s21] =	ssyncset.done $0x0  }
0xd6: {  	s26 =	rddreg [dreg:$0x8];
	[sflag:s21] =	ssyncadd.s32 $0xFFFFC000  }
0xd7: {  	[hbm4b:s26+s2] =	stream.linear.scatter [tilespmem:s16], [sflag:$0xB], $0x4000, $0x38;
	[tilespmem:$0x18400] =	vst v63  }
0xd8: {  	_ =	swait.ge [sflag:s20], $0x4000  }
0xd9: {  	[sflag:s20] =	ssyncset.done $0x0  }
0xda: {  	s28 =	rddreg [dreg:$0x9];
	[sflag:s20] =	ssyncadd.s32 $0xFFFFC000  }
0xdb: {  	[hbm4b:s28+s2] =	stream.linear.scatter [tilespmem:s14], [sflag:$0xC], $0x4000, $0x38;
	[tilespmem:$0x18400] =	vst v63  }
0xdc: {  	_ =	swait.ge [sflag:s12], $0x4000  }
0xdd: {  	[sflag:s12] =	ssyncset.done $0x0  }
0xde: {  	s29 =	rddreg [dreg:$0xa];
	[sflag:s12] =	ssyncadd.s32 $0xFFFFC000  }
0xdf: {  	[hbm4b:s29+s2] =	stream.linear.scatter [tilespmem:s5], [sflag:$0x7], $0x4000, $0x38;
	[tilespmem:$0x18400] =	vst v63  }
0xe0: {  	_ =	swait.ge [sflag:s10], $0x4000  }
0xe1: {  	[sflag:s10] =	ssyncset.done $0x0  }
0xe2: {  	s30 =	rddreg [dreg:$0xb];
	[sflag:s10] =	ssyncadd.s32 $0xFFFFC000  }
0xe3: {  	[hbm4b:s30+s2] =	stream.linear.scatter [tilespmem:s4], [sflag:$0x8], $0x4000, $0x38;
	[tilespmem:$0x18400] =	vst v63  }
0xe4: {  	_ =	swait.ge [sflag:s7], $0x4000  }
0xe5: {  	[sflag:s7] =	ssyncset.done $0x0  }
0xe6: {  	[sflag:s7] =	ssyncadd.s32 $0xFFFFC000  }
0xe7: {  	_ =	swait.ge [sflag:s8], $0x4000  }
0xe8: {  	[sflag:s8] =	ssyncset.done $0x0  }
0xe9: {  	[sflag:s8] =	ssyncadd.s32 $0xFFFFC000  }
0xea: {  	_ =	swait.ge [sflag:s13], $0x4000  }
0xeb: {  	[sflag:s13] =	ssyncset.done $0x0  }
0xec: {  	[sflag:s13] =	ssyncadd.s32 $0xFFFFC000  }
0xed: {  	_ =	swait.ge [sflag:s11], $0x4000  }
0xee: {  	[sflag:s11] =	ssyncset.done $0x0  }
0xef: {  	[sflag:s11] =	ssyncadd.s32 $0xFFFFC000  }
0xf0: {  	_ =	swait.ge [sflag:s9], $0x4000  }
0xf1: {  	[sflag:s9] =	ssyncset.done $0x0  }
0xf2: {  	[sflag:s9] =	ssyncadd.s32 $0xFFFFC000  }
0xf3: {  	_ =	swait.ge [sflag:s6], $0x4000  }
0xf4: {  	[sflag:s6] =	ssyncset.done $0x0  }
0xf5: {  	[sflag:s6] =	ssyncadd.s32 $0xFFFFC000  }
0xf6: {  	_ =	sfence.sel $0x180000  }
0xf7: {  	[bflag:$0x0] =	sbarrier.arrive $0xFFFF  }
0xf8: {  	_ =	strace $0x90000047  }
0xf9: {  	s31 =	stileid.u32;
	[bflag:$0x2] =	sbarrier.arrive $0xFFFF  }
0xfa: {  	p0 =	sne.s32 s31, $0x0;
	s0 =	rddreg [dreg:$0x3]  }
0xfb: {  	s0 =	sadd.s32 @!p0 $0x100000, s0  }
0xfc: {  	[sflag:s0] =	ssyncadd.tile.s32 @!p0 $0x1;
	_ =	shalt  }
.Lfunc_end2:
_tile_overlayer_lowered:
.L_overlay_start_2:
0xfd: {  	(tag) =	ssettag $0x2  }
0xfe: {  	s0 =	rddreg [dreg:$0x0];
	s2 =	stileid.u32  }
0xff: {  	s1 =	rddreg [dreg:$0x1];
	p0 =	sne.s32 s2, $0x0  }
0x100: {  	s3 =	rddreg [dreg:$0x2];
	[bflag:$0x3] =	sbarrier.arrive $0xFFFF;
	s2 =	simm.s32 @!p0 $0x1C0D  }
0x101: {  	[timem:s3], [sflag:s2] =	dma.local @!p0 [hbm:s0], s1  }
0x102: {  	s0 =	simm.s32 @!p0 $0xD  }
0x103: {  	_ =	swait.ge @!p0 [sflag:s0], s1  }
0x104: {  	s1 =	ssub.s32 @!p0 $0x0, s1;
	[sflag:s0] =	ssyncset.done @!p0 $0x0  }
0x105: {  	[sflag:s0] =	ssyncadd.s32 @!p0 s1  }
0x106: {  	[bflag:$0x3] =	sbarrier.arrive $0xFFFF  }
0x107: {  	_ =	shalt  }

</sc_bundles>
